<compile_context>
chip_gen: v7x
topology: tpu7x:2x2x1
jax: 0.10.2.dev20260603
libtpu: 0.0.44.dev20260713+nightly
codegen_flags: <defaults>
</compile_context>

<pallas_src>
import jax
import jax.numpy as jnp
from jax import lax
from jax.experimental import pallas as pl
from jax.experimental.pallas import tpu as pltpu
from jax.experimental.pallas import tpu_sc as plsc

N = 10000
E = 320000
D_FEAT = 128
D_EDGE = 16
OUT = 128

NC = 2
NS = 16
NW = NC * NS
LANES = 16

CH = 128
NCHUNKS = E // CH
FULL = NCHUNKS // NW
EXTRA = NCHUNKS - FULL * NW
RPT = 624
REM = N - NS * RPT
ZROWS = 104


def _h2_body(x_ref, wx_ref, bx_ref, wm1_ref, o_ref):
    wxm = jnp.dot(wx_ref[...], wm1_ref[...], preferred_element_type=jnp.float32)
    bxm = jnp.dot(bx_ref[...], wm1_ref[...], preferred_element_type=jnp.float32)
    o_ref[...] = jnp.dot(x_ref[...], wxm, preferred_element_type=jnp.float32) + bxm


def _ec_body(ea_ref, we_ref, be_ref, wm2_ref, bm_ref, o_ref):
    we2 = jnp.dot(we_ref[...], wm2_ref[...], preferred_element_type=jnp.float32)
    ball = jnp.dot(be_ref[...], wm2_ref[...], preferred_element_type=jnp.float32) + bm_ref[...]
    o_ref[...] = jnp.dot(ea_ref[...], we2, preferred_element_type=jnp.float32) + ball


def _fin_body(p0_ref, p1_ref, s_ref, o_ref):
    a = p0_ref[...] + p1_ref[...]
    o_ref[...] = s_ref[0, 0] / (1.0 + jnp.exp(-a))


def _sc_body(h2_hbm, src_hbm, dst_hbm, ec_hbm, out_hbm,
             src_v, dst_v, rows_v, ec_v, acc_sh, sem):
    cid = lax.axis_index("c")
    sid = lax.axis_index("s")
    w = sid * NC + cid

    zero = jnp.zeros((LANES,), jnp.float32)

    def _z(r, carry):
        for c in range(OUT // LANES):
            ec_v[r, pl.ds(c * LANES, LANES)] = zero
        return carry
    lax.fori_loop(0, CH, _z, 0)
    for k in range(RPT // ZROWS):
        pltpu.sync_copy(ec_v.at[pl.ds(0, ZROWS)],
                        acc_sh.at[pl.ds(sid * RPT + k * ZROWS, ZROWS)])

    @pl.when(sid == NS - 1)
    def _zero_rem():
        pltpu.sync_copy(ec_v.at[pl.ds(0, REM)], acc_sh.at[pl.ds(NS * RPT, REM)])
    plsc.subcore_barrier()

    nch = FULL + jnp.where(w < EXTRA, 1, 0)

    def _chunk(i, carry):
        base = (w + i * NW) * CH
        pltpu.sync_copy(src_hbm.at[pl.ds(base, CH)], src_v)
        pltpu.sync_copy(dst_hbm.at[pl.ds(base, CH)], dst_v)
        gather = pltpu.async_copy(h2_hbm.at[src_v], rows_v, sem)
        pltpu.sync_copy(ec_hbm.at[pl.ds(base, CH)], ec_v)
        gather.wait()

        def _row(r, c2):
            for c in range(OUT // LANES):
                sl = pl.ds(c * LANES, LANES)
                v = rows_v[r, sl] + ec_v[r, sl]
                rows_v[r, sl] = jnp.maximum(v, 0.01 * v)
            return c2
        lax.fori_loop(0, CH, _row, 0)

        pltpu.sync_copy(rows_v, acc_sh.at[dst_v], add=True)
        return carry
    lax.fori_loop(0, nch, _chunk, 0)

    plsc.subcore_barrier()
    pltpu.sync_copy(acc_sh.at[pl.ds(sid * RPT, RPT)],
                    out_hbm.at[pl.ds(cid * N + sid * RPT, RPT)])

    @pl.when(sid == NS - 1)
    def _write_rem():
        pltpu.sync_copy(acc_sh.at[pl.ds(NS * RPT, REM)],
                        out_hbm.at[pl.ds(cid * N + NS * RPT, REM)])


def kernel(x, edge_index, edge_attr, W_x, b_x, W_e, b_e, W_m, b_m, beta):
    W_m1 = W_m[:D_FEAT]
    W_m2 = W_m[D_FEAT:]
    src = edge_index[0]
    dst = edge_index[1]

    h2 = pl.pallas_call(
        _h2_body,
        out_shape=jax.ShapeDtypeStruct((N, OUT), jnp.float32),
    )(x, W_x, b_x.reshape(1, OUT), W_m1)

    EB = 4000
    ec = pl.pallas_call(
        _ec_body,
        grid=(E // EB,),
        in_specs=[
            pl.BlockSpec((EB, D_EDGE), lambda i: (i, 0)),
            pl.BlockSpec((D_EDGE, OUT), lambda i: (0, 0)),
            pl.BlockSpec((1, OUT), lambda i: (0, 0)),
            pl.BlockSpec((D_FEAT, OUT), lambda i: (0, 0)),
            pl.BlockSpec((1, OUT), lambda i: (0, 0)),
        ],
        out_specs=pl.BlockSpec((EB, OUT), lambda i: (i, 0)),
        out_shape=jax.ShapeDtypeStruct((E, OUT), jnp.float32),
    )(edge_attr, W_e, b_e.reshape(1, OUT), W_m2, b_m.reshape(1, OUT))

    partial = pl.kernel(
        _sc_body,
        out_type=jax.ShapeDtypeStruct((NC * N, OUT), jnp.float32),
        mesh=plsc.VectorSubcoreMesh(core_axis_name="c", subcore_axis_name="s",
                                    num_cores=NC, num_subcores=NS),
        scratch_types=[
            pltpu.VMEM((CH,), jnp.int32),
            pltpu.VMEM((CH,), jnp.int32),
            pltpu.VMEM((CH, OUT), jnp.float32),
            pltpu.VMEM((CH, OUT), jnp.float32),
            pltpu.VMEM_SHARED((N, OUT), jnp.float32),
            pltpu.SemaphoreType.DMA,
        ],
    )(h2, src, dst, ec)

    scale = jnp.maximum(beta, 0.0).astype(jnp.float32).reshape(1, 1)
    RB = 1000
    out = pl.pallas_call(
        _fin_body,
        grid=(N // RB,),
        in_specs=[
            pl.BlockSpec((RB, OUT), lambda i: (i, 0)),
            pl.BlockSpec((RB, OUT), lambda i: (i + N // RB, 0)),
            pl.BlockSpec(memory_space=pltpu.SMEM),
        ],
        out_specs=pl.BlockSpec((RB, OUT), lambda i: (i, 0)),
        out_shape=jax.ShapeDtypeStruct((N, OUT), jnp.float32),
    )(partial, partial, scale)
    return out

# --- scband reference (transcript-rebuilt; emitter-appended) ---
"""Pipeline reference for scband-geaelayer-33517924778606 (READ-ONLY COPY).

The authoritative reference and input builder live on the scoring server;
editing this copy changes nothing except your own understanding.
"""

import jax, jax.numpy as jnp
import numpy as np

N = 10000
E = 320000
D_FEAT = 128
D_EDGE = 16
OUT = 128


def setup_inputs(seed: int = 0) -> dict:
    key = jax.random.key(seed)
    ks = jax.random.split(key, 10)
    x = jax.random.normal(ks[0], (N, D_FEAT), dtype=jnp.float32)
    edge_index = jax.random.randint(ks[1], (2, E), 0, N, dtype=jnp.int32)
    edge_attr = jax.random.normal(ks[2], (E, D_EDGE), dtype=jnp.float32)
    sx = 1.0 / np.sqrt(D_FEAT)
    W_x = jax.random.uniform(ks[3], (D_FEAT, OUT), minval=-sx, maxval=sx, dtype=jnp.float32)
    b_x = jax.random.uniform(ks[4], (OUT,), minval=-sx, maxval=sx, dtype=jnp.float32)
    se = 1.0 / np.sqrt(D_EDGE)
    W_e = jax.random.uniform(ks[5], (D_EDGE, OUT), minval=-se, maxval=se, dtype=jnp.float32)
    b_e = jax.random.uniform(ks[6], (OUT,), minval=-se, maxval=se, dtype=jnp.float32)
    sm = 1.0 / np.sqrt(2 * OUT)
    W_m = jax.random.uniform(ks[7], (2 * OUT, OUT), minval=-sm, maxval=sm, dtype=jnp.float32)
    b_m = jax.random.uniform(ks[8], (OUT,), minval=-sm, maxval=sm, dtype=jnp.float32)
    beta = jnp.asarray(0.1, dtype=jnp.float32)
    return {
        "x": x,
        "edge_index": edge_index,
        "edge_attr": edge_attr,
        "W_x": W_x,
        "b_x": b_x,
        "W_e": W_e,
        "b_e": b_e,
        "W_m": W_m,
        "b_m": b_m,
        "beta": beta,
    }


def reference(x, edge_index, edge_attr, W_x, b_x, W_e, b_e, W_m, b_m, beta):
    # x_proj
    h = x @ W_x + b_x
    src = edge_index[0]
    dst = edge_index[1]
    # edge_proj
    ef = edge_attr @ W_e + b_e
    # gather source node features
    sf = jnp.take(h, src, axis=0)
    # msg_combine over concatenated features
    msg = jnp.concatenate([sf, ef], axis=1) @ W_m + b_m
    # leaky_relu (default negative_slope=0.01)
    msg = jnp.where(msg >= 0, msg, 0.01 * msg)
    # scatter_add by destination node
    agg = jax.ops.segment_sum(msg, dst, num_segments=N)
    return jax.nn.sigmoid(agg) * jax.nn.relu(beta)

if __name__ == "__main__":
    import jax
    _d = setup_inputs()
    print(jax.jit(kernel)(*tuple(_d.values())))

</pallas_src>

<mosaic_0001>
#map = affine_map<(d0, d1) -> (0, 0)>
#map1 = affine_map<(d0, d1) -> (0)>
module attributes {stable_mosaic.version = 14 : i64} {
  func.func @_sc_body(%arg0: i32, %arg1: i32, %arg2: memref<10000x128xf32, #tpu.memory_space<hbm>>, %arg3: memref<320000xi32, #tpu.memory_space<hbm>>, %arg4: memref<320000xi32, #tpu.memory_space<hbm>>, %arg5: memref<320000x128xf32, #tpu.memory_space<hbm>>, %arg6: memref<20000x128xf32, #tpu.memory_space<hbm>>, %arg7: memref<128xi32, #tpu.memory_space<vmem>>, %arg8: memref<128xi32, #tpu.memory_space<vmem>>, %arg9: memref<128x128xf32, #tpu.memory_space<vmem>>, %arg10: memref<128x128xf32, #tpu.memory_space<vmem>>, %arg11: memref<10000x128xf32, #tpu.memory_space<vmem_shared>>, %arg12: memref<!tpu.dma_semaphore, #tpu.memory_space<semaphore_mem>>) attributes {dimension_semantics = [#tpu.dimension_semantics<core_parallel>, #tpu.dimension_semantics<subcore_parallel>], iteration_bounds = array<i64: 2, 16>, scalar_prefetch = 0 : i64, scratch_operands = 6 : i64, tpu.core_type = #tpu.core_type<sc_vector_subcore>, window_params = [{transform_indices = #map}, {transform_indices = #map1}, {transform_indices = #map1}, {transform_indices = #map}, {transform_indices = #map}]} {
    %mul3A = arith.constant 2 : i32
    %mul3A_0 = arith.muli %arg1, %mul3A : i32
    %add3A = arith.addi %mul3A_0, %arg0 : i32
    %broadcast_in_dim3A = arith.constant 0.000000e+00 : f32
    %broadcast_in_dim3A_1 = vector.broadcast %broadcast_in_dim3A : f32 to vector<16xf32>
    %scan3A = arith.constant 0 : i32
    %scan3A_2 = arith.constant 0 : i32
    %scan3A_3 = arith.constant 128 : i32
    %scan3A_4 = arith.addi %scan3A_2, %scan3A_3 : i32
    %scan3A_5 = arith.constant 1 : i32
    scf.for %scan3A_59 = %scan3A_2 to %scan3A_4 step %scan3A_5  : i32 {
      %swap3A = arith.index_cast %scan3A_59 : i32 to index
      %swap3A_60 = arith.constant 0 : index
      %swap3A_61 = tpu.vector_load %arg10[%swap3A, %swap3A_60] {strides = array<i32>} : memref<128x128xf32, #tpu.memory_space<vmem>>, vector<1x16xf32>,
      %swap3A_62 = vector.shape_cast %swap3A_61 : vector<1x16xf32> to vector<16xf32>
      %swap3A_63 = vector.shape_cast %broadcast_in_dim3A_1 : vector<16xf32> to vector<1x16xf32>
      tpu.vector_store %arg10[%swap3A, %swap3A_60], %swap3A_63 {strides = array<i32>} : memref<128x128xf32, #tpu.memory_space<vmem>>, vector<1x16xf32>,
      %swap3A_64 = arith.index_cast %scan3A_59 : i32 to index
      %swap3A_65 = arith.constant 16 : index
      %swap3A_66 = tpu.vector_load %arg10[%swap3A_64, %swap3A_65] {strides = array<i32>} : memref<128x128xf32, #tpu.memory_space<vmem>>, vector<1x16xf32>,
      %swap3A_67 = vector.shape_cast %swap3A_66 : vector<1x16xf32> to vector<16xf32>
      %swap3A_68 = vector.shape_cast %broadcast_in_dim3A_1 : vector<16xf32> to vector<1x16xf32>
      tpu.vector_store %arg10[%swap3A_64, %swap3A_65], %swap3A_68 {strides = array<i32>} : memref<128x128xf32, #tpu.memory_space<vmem>>, vector<1x16xf32>,
      %swap3A_69 = arith.index_cast %scan3A_59 : i32 to index
      %swap3A_70 = arith.constant 32 : index
      %swap3A_71 = tpu.vector_load %arg10[%swap3A_69, %swap3A_70] {strides = array<i32>} : memref<128x128xf32, #tpu.memory_space<vmem>>, vector<1x16xf32>,
      %swap3A_72 = vector.shape_cast %swap3A_71 : vector<1x16xf32> to vector<16xf32>
      %swap3A_73 = vector.shape_cast %broadcast_in_dim3A_1 : vector<16xf32> to vector<1x16xf32>
      tpu.vector_store %arg10[%swap3A_69, %swap3A_70], %swap3A_73 {strides = array<i32>} : memref<128x128xf32, #tpu.memory_space<vmem>>, vector<1x16xf32>,
      %swap3A_74 = arith.index_cast %scan3A_59 : i32 to index
      %swap3A_75 = arith.constant 48 : index
      %swap3A_76 = tpu.vector_load %arg10[%swap3A_74, %swap3A_75] {strides = array<i32>} : memref<128x128xf32, #tpu.memory_space<vmem>>, vector<1x16xf32>,
      %swap3A_77 = vector.shape_cast %swap3A_76 : vector<1x16xf32> to vector<16xf32>
      %swap3A_78 = vector.shape_cast %broadcast_in_dim3A_1 : vector<16xf32> to vector<1x16xf32>
      tpu.vector_store %arg10[%swap3A_74, %swap3A_75], %swap3A_78 {strides = array<i32>} : memref<128x128xf32, #tpu.memory_space<vmem>>, vector<1x16xf32>,
      %swap3A_79 = arith.index_cast %scan3A_59 : i32 to index
      %swap3A_80 = arith.constant 64 : index
      %swap3A_81 = tpu.vector_load %arg10[%swap3A_79, %swap3A_80] {strides = array<i32>} : memref<128x128xf32, #tpu.memory_space<vmem>>, vector<1x16xf32>,
      %swap3A_82 = vector.shape_cast %swap3A_81 : vector<1x16xf32> to vector<16xf32>
      %swap3A_83 = vector.shape_cast %broadcast_in_dim3A_1 : vector<16xf32> to vector<1x16xf32>
      tpu.vector_store %arg10[%swap3A_79, %swap3A_80], %swap3A_83 {strides = array<i32>} : memref<128x128xf32, #tpu.memory_space<vmem>>, vector<1x16xf32>,
      %swap3A_84 = arith.index_cast %scan3A_59 : i32 to index
      %swap3A_85 = arith.constant 80 : index
      %swap3A_86 = tpu.vector_load %arg10[%swap3A_84, %swap3A_85] {strides = array<i32>} : memref<128x128xf32, #tpu.memory_space<vmem>>, vector<1x16xf32>,
      %swap3A_87 = vector.shape_cast %swap3A_86 : vector<1x16xf32> to vector<16xf32>
      %swap3A_88 = vector.shape_cast %broadcast_in_dim3A_1 : vector<16xf32> to vector<1x16xf32>
      tpu.vector_store %arg10[%swap3A_84, %swap3A_85], %swap3A_88 {strides = array<i32>} : memref<128x128xf32, #tpu.memory_space<vmem>>, vector<1x16xf32>,
      %swap3A_89 = arith.index_cast %scan3A_59 : i32 to index
      %swap3A_90 = arith.constant 96 : index
      %swap3A_91 = tpu.vector_load %arg10[%swap3A_89, %swap3A_90] {strides = array<i32>} : memref<128x128xf32, #tpu.memory_space<vmem>>, vector<1x16xf32>,
      %swap3A_92 = vector.shape_cast %swap3A_91 : vector<1x16xf32> to vector<16xf32>
      %swap3A_93 = vector.shape_cast %broadcast_in_dim3A_1 : vector<16xf32> to vector<1x16xf32>
      tpu.vector_store %arg10[%swap3A_89, %swap3A_90], %swap3A_93 {strides = array<i32>} : memref<128x128xf32, #tpu.memory_space<vmem>>, vector<1x16xf32>,
      %swap3A_94 = arith.index_cast %scan3A_59 : i32 to index
      %swap3A_95 = arith.constant 112 : index
      %swap3A_96 = tpu.vector_load %arg10[%swap3A_94, %swap3A_95] {strides = array<i32>} : memref<128x128xf32, #tpu.memory_space<vmem>>, vector<1x16xf32>,
      %swap3A_97 = vector.shape_cast %swap3A_96 : vector<1x16xf32> to vector<16xf32>
      %swap3A_98 = vector.shape_cast %broadcast_in_dim3A_1 : vector<16xf32> to vector<1x16xf32>
      tpu.vector_store %arg10[%swap3A_94, %swap3A_95], %swap3A_98 {strides = array<i32>} : memref<128x128xf32, #tpu.memory_space<vmem>>, vector<1x16xf32>,
    }
    %scan3A_6 = arith.constant 128 : i32
    %mul3A_7 = arith.constant 624 : i32
    %mul3A_8 = arith.muli %arg1, %mul3A_7 : i32
    %add3A_9 = arith.constant 0 : i32
    %add3A_10 = arith.addi %mul3A_8, %add3A_9 : i32
    "tpu.region"() ({
      %run_scoped3A = tpu.sem_alloc : memref<!tpu.dma_semaphore, #tpu.memory_space<semaphore_mem>>
      %dma_start3A = arith.constant 0 : i32
      %dma_start3A_59 = arith.constant 0 : i32
      %dma_start3A_60 = tpu.memref_slice %arg10[%dma_start3A, %dma_start3A_59] : memref<128x128xf32, #tpu.memory_space<vmem>> -> memref<104x128xf32, #tpu.memory_space<vmem>>
      %dma_start3A_61 = arith.constant 0 : i32
      %dma_start3A_62 = tpu.memref_slice %arg11[%add3A_10, %dma_start3A_61] : memref<10000x128xf32, #tpu.memory_space<vmem_shared>> -> memref<104x128xf32, #tpu.memory_space<vmem_shared>>
      %dma_start3A_63 = arith.constant 0 : i32
      %dma_start3A_64 = tpu.memref_slice %arg11[%add3A_10, %dma_start3A_63] : memref<10000x128xf32, #tpu.memory_space<vmem_shared>> -> memref<104x128xf32, #tpu.memory_space<vmem_shared>>
      %dma_start3A_65 = arith.constant 0 : i32
      %dma_start3A_66 = arith.constant 0 : i32
      %dma_start3A_67 = tpu.memref_slice %arg10[%dma_start3A_65, %dma_start3A_66] : memref<128x128xf32, #tpu.memory_space<vmem>> -> memref<104x128xf32, #tpu.memory_space<vmem>>
      tpu.enqueue_dma source(%dma_start3A_67 : memref<104x128xf32, #tpu.memory_space<vmem>>) target(%dma_start3A_64 : memref<104x128xf32, #tpu.memory_space<vmem_shared>>) target_semaphore(%run_scoped3A : memref<!tpu.dma_semaphore, #tpu.memory_space<semaphore_mem>>)
      %dma_wait3A = arith.constant 0 : i32
      %dma_wait3A_68 = arith.constant 0 : i32
      %dma_wait3A_69 = tpu.memref_slice %arg10[%dma_wait3A, %dma_wait3A_68] : memref<128x128xf32, #tpu.memory_space<vmem>> -> memref<104x128xf32, #tpu.memory_space<vmem>>
      %dma_wait3A_70 = arith.constant 0 : i32
      %dma_wait3A_71 = tpu.memref_slice %arg11[%add3A_10, %dma_wait3A_70] : memref<10000x128xf32, #tpu.memory_space<vmem_shared>> -> memref<104x128xf32, #tpu.memory_space<vmem_shared>>
      %dma_wait3A_72 = arith.constant 0 : i32
      %dma_wait3A_73 = tpu.memref_slice %arg11[%add3A_10, %dma_wait3A_72] : memref<10000x128xf32, #tpu.memory_space<vmem_shared>> -> memref<104x128xf32, #tpu.memory_space<vmem_shared>>
      %dma_wait3A_74 = arith.constant 0 : i32
      %dma_wait3A_75 = arith.constant 0 : i32
      %dma_wait3A_76 = tpu.memref_slice %arg10[%dma_wait3A_74, %dma_wait3A_75] : memref<128x128xf32, #tpu.memory_space<vmem>> -> memref<104x128xf32, #tpu.memory_space<vmem>>
      tpu.wait_dma2 semaphore(%run_scoped3A : memref<!tpu.dma_semaphore, #tpu.memory_space<semaphore_mem>>) src(%dma_wait3A_76 : memref<104x128xf32, #tpu.memory_space<vmem>>) dst(%dma_wait3A_73 : memref<104x128xf32, #tpu.memory_space<vmem_shared>>)
      tpu.yield
    }) : () -> ()
    %mul3A_11 = arith.constant 624 : i32
    %mul3A_12 = arith.muli %arg1, %mul3A_11 : i32
    %add3A_13 = arith.constant 104 : i32
    %add3A_14 = arith.addi %mul3A_12, %add3A_13 : i32
    "tpu.region"() ({
      %run_scoped3A = tpu.sem_alloc : memref<!tpu.dma_semaphore, #tpu.memory_space<semaphore_mem>>
      %dma_start3A = arith.constant 0 : i32
      %dma_start3A_59 = arith.constant 0 : i32
      %dma_start3A_60 = tpu.memref_slice %arg10[%dma_start3A, %dma_start3A_59] : memref<128x128xf32, #tpu.memory_space<vmem>> -> memref<104x128xf32, #tpu.memory_space<vmem>>
      %dma_start3A_61 = arith.constant 0 : i32
      %dma_start3A_62 = tpu.memref_slice %arg11[%add3A_14, %dma_start3A_61] : memref<10000x128xf32, #tpu.memory_space<vmem_shared>> -> memref<104x128xf32, #tpu.memory_space<vmem_shared>>
      %dma_start3A_63 = arith.constant 0 : i32
      %dma_start3A_64 = tpu.memref_slice %arg11[%add3A_14, %dma_start3A_63] : memref<10000x128xf32, #tpu.memory_space<vmem_shared>> -> memref<104x128xf32, #tpu.memory_space<vmem_shared>>
      %dma_start3A_65 = arith.constant 0 : i32
      %dma_start3A_66 = arith.constant 0 : i32
      %dma_start3A_67 = tpu.memref_slice %arg10[%dma_start3A_65, %dma_start3A_66] : memref<128x128xf32, #tpu.memory_space<vmem>> -> memref<104x128xf32, #tpu.memory_space<vmem>>
      tpu.enqueue_dma source(%dma_start3A_67 : memref<104x128xf32, #tpu.memory_space<vmem>>) target(%dma_start3A_64 : memref<104x128xf32, #tpu.memory_space<vmem_shared>>) target_semaphore(%run_scoped3A : memref<!tpu.dma_semaphore, #tpu.memory_space<semaphore_mem>>)
      %dma_wait3A = arith.constant 0 : i32
      %dma_wait3A_68 = arith.constant 0 : i32
      %dma_wait3A_69 = tpu.memref_slice %arg10[%dma_wait3A, %dma_wait3A_68] : memref<128x128xf32, #tpu.memory_space<vmem>> -> memref<104x128xf32, #tpu.memory_space<vmem>>
      %dma_wait3A_70 = arith.constant 0 : i32
      %dma_wait3A_71 = tpu.memref_slice %arg11[%add3A_14, %dma_wait3A_70] : memref<10000x128xf32, #tpu.memory_space<vmem_shared>> -> memref<104x128xf32, #tpu.memory_space<vmem_shared>>
      %dma_wait3A_72 = arith.constant 0 : i32
      %dma_wait3A_73 = tpu.memref_slice %arg11[%add3A_14, %dma_wait3A_72] : memref<10000x128xf32, #tpu.memory_space<vmem_shared>> -> memref<104x128xf32, #tpu.memory_space<vmem_shared>>
      %dma_wait3A_74 = arith.constant 0 : i32
      %dma_wait3A_75 = arith.constant 0 : i32
      %dma_wait3A_76 = tpu.memref_slice %arg10[%dma_wait3A_74, %dma_wait3A_75] : memref<128x128xf32, #tpu.memory_space<vmem>> -> memref<104x128xf32, #tpu.memory_space<vmem>>
      tpu.wait_dma2 semaphore(%run_scoped3A : memref<!tpu.dma_semaphore, #tpu.memory_space<semaphore_mem>>) src(%dma_wait3A_76 : memref<104x128xf32, #tpu.memory_space<vmem>>) dst(%dma_wait3A_73 : memref<104x128xf32, #tpu.memory_space<vmem_shared>>)
      tpu.yield
    }) : () -> ()
    %mul3A_15 = arith.constant 624 : i32
    %mul3A_16 = arith.muli %arg1, %mul3A_15 : i32
    %add3A_17 = arith.constant 208 : i32
    %add3A_18 = arith.addi %mul3A_16, %add3A_17 : i32
    "tpu.region"() ({
      %run_scoped3A = tpu.sem_alloc : memref<!tpu.dma_semaphore, #tpu.memory_space<semaphore_mem>>
      %dma_start3A = arith.constant 0 : i32
      %dma_start3A_59 = arith.constant 0 : i32
      %dma_start3A_60 = tpu.memref_slice %arg10[%dma_start3A, %dma_start3A_59] : memref<128x128xf32, #tpu.memory_space<vmem>> -> memref<104x128xf32, #tpu.memory_space<vmem>>
      %dma_start3A_61 = arith.constant 0 : i32
      %dma_start3A_62 = tpu.memref_slice %arg11[%add3A_18, %dma_start3A_61] : memref<10000x128xf32, #tpu.memory_space<vmem_shared>> -> memref<104x128xf32, #tpu.memory_space<vmem_shared>>
      %dma_start3A_63 = arith.constant 0 : i32
      %dma_start3A_64 = tpu.memref_slice %arg11[%add3A_18, %dma_start3A_63] : memref<10000x128xf32, #tpu.memory_space<vmem_shared>> -> memref<104x128xf32, #tpu.memory_space<vmem_shared>>
      %dma_start3A_65 = arith.constant 0 : i32
      %dma_start3A_66 = arith.constant 0 : i32
      %dma_start3A_67 = tpu.memref_slice %arg10[%dma_start3A_65, %dma_start3A_66] : memref<128x128xf32, #tpu.memory_space<vmem>> -> memref<104x128xf32, #tpu.memory_space<vmem>>
      tpu.enqueue_dma source(%dma_start3A_67 : memref<104x128xf32, #tpu.memory_space<vmem>>) target(%dma_start3A_64 : memref<104x128xf32, #tpu.memory_space<vmem_shared>>) target_semaphore(%run_scoped3A : memref<!tpu.dma_semaphore, #tpu.memory_space<semaphore_mem>>)
      %dma_wait3A = arith.constant 0 : i32
      %dma_wait3A_68 = arith.constant 0 : i32
      %dma_wait3A_69 = tpu.memref_slice %arg10[%dma_wait3A, %dma_wait3A_68] : memref<128x128xf32, #tpu.memory_space<vmem>> -> memref<104x128xf32, #tpu.memory_space<vmem>>
      %dma_wait3A_70 = arith.constant 0 : i32
      %dma_wait3A_71 = tpu.memref_slice %arg11[%add3A_18, %dma_wait3A_70] : memref<10000x128xf32, #tpu.memory_space<vmem_shared>> -> memref<104x128xf32, #tpu.memory_space<vmem_shared>>
      %dma_wait3A_72 = arith.constant 0 : i32
      %dma_wait3A_73 = tpu.memref_slice %arg11[%add3A_18, %dma_wait3A_72] : memref<10000x128xf32, #tpu.memory_space<vmem_shared>> -> memref<104x128xf32, #tpu.memory_space<vmem_shared>>
      %dma_wait3A_74 = arith.constant 0 : i32
      %dma_wait3A_75 = arith.constant 0 : i32
      %dma_wait3A_76 = tpu.memref_slice %arg10[%dma_wait3A_74, %dma_wait3A_75] : memref<128x128xf32, #tpu.memory_space<vmem>> -> memref<104x128xf32, #tpu.memory_space<vmem>>
      tpu.wait_dma2 semaphore(%run_scoped3A : memref<!tpu.dma_semaphore, #tpu.memory_space<semaphore_mem>>) src(%dma_wait3A_76 : memref<104x128xf32, #tpu.memory_space<vmem>>) dst(%dma_wait3A_73 : memref<104x128xf32, #tpu.memory_space<vmem_shared>>)
      tpu.yield
    }) : () -> ()
    %mul3A_19 = arith.constant 624 : i32
    %mul3A_20 = arith.muli %arg1, %mul3A_19 : i32
    %add3A_21 = arith.constant 312 : i32
    %add3A_22 = arith.addi %mul3A_20, %add3A_21 : i32
    "tpu.region"() ({
      %run_scoped3A = tpu.sem_alloc : memref<!tpu.dma_semaphore, #tpu.memory_space<semaphore_mem>>
      %dma_start3A = arith.constant 0 : i32
      %dma_start3A_59 = arith.constant 0 : i32
      %dma_start3A_60 = tpu.memref_slice %arg10[%dma_start3A, %dma_start3A_59] : memref<128x128xf32, #tpu.memory_space<vmem>> -> memref<104x128xf32, #tpu.memory_space<vmem>>
      %dma_start3A_61 = arith.constant 0 : i32
      %dma_start3A_62 = tpu.memref_slice %arg11[%add3A_22, %dma_start3A_61] : memref<10000x128xf32, #tpu.memory_space<vmem_shared>> -> memref<104x128xf32, #tpu.memory_space<vmem_shared>>
      %dma_start3A_63 = arith.constant 0 : i32
      %dma_start3A_64 = tpu.memref_slice %arg11[%add3A_22, %dma_start3A_63] : memref<10000x128xf32, #tpu.memory_space<vmem_shared>> -> memref<104x128xf32, #tpu.memory_space<vmem_shared>>
      %dma_start3A_65 = arith.constant 0 : i32
      %dma_start3A_66 = arith.constant 0 : i32
      %dma_start3A_67 = tpu.memref_slice %arg10[%dma_start3A_65, %dma_start3A_66] : memref<128x128xf32, #tpu.memory_space<vmem>> -> memref<104x128xf32, #tpu.memory_space<vmem>>
      tpu.enqueue_dma source(%dma_start3A_67 : memref<104x128xf32, #tpu.memory_space<vmem>>) target(%dma_start3A_64 : memref<104x128xf32, #tpu.memory_space<vmem_shared>>) target_semaphore(%run_scoped3A : memref<!tpu.dma_semaphore, #tpu.memory_space<semaphore_mem>>)
      %dma_wait3A = arith.constant 0 : i32
      %dma_wait3A_68 = arith.constant 0 : i32
      %dma_wait3A_69 = tpu.memref_slice %arg10[%dma_wait3A, %dma_wait3A_68] : memref<128x128xf32, #tpu.memory_space<vmem>> -> memref<104x128xf32, #tpu.memory_space<vmem>>
      %dma_wait3A_70 = arith.constant 0 : i32
      %dma_wait3A_71 = tpu.memref_slice %arg11[%add3A_22, %dma_wait3A_70] : memref<10000x128xf32, #tpu.memory_space<vmem_shared>> -> memref<104x128xf32, #tpu.memory_space<vmem_shared>>
      %dma_wait3A_72 = arith.constant 0 : i32
      %dma_wait3A_73 = tpu.memref_slice %arg11[%add3A_22, %dma_wait3A_72] : memref<10000x128xf32, #tpu.memory_space<vmem_shared>> -> memref<104x128xf32, #tpu.memory_space<vmem_shared>>
      %dma_wait3A_74 = arith.constant 0 : i32
      %dma_wait3A_75 = arith.constant 0 : i32
      %dma_wait3A_76 = tpu.memref_slice %arg10[%dma_wait3A_74, %dma_wait3A_75] : memref<128x128xf32, #tpu.memory_space<vmem>> -> memref<104x128xf32, #tpu.memory_space<vmem>>
      tpu.wait_dma2 semaphore(%run_scoped3A : memref<!tpu.dma_semaphore, #tpu.memory_space<semaphore_mem>>) src(%dma_wait3A_76 : memref<104x128xf32, #tpu.memory_space<vmem>>) dst(%dma_wait3A_73 : memref<104x128xf32, #tpu.memory_space<vmem_shared>>)
      tpu.yield
    }) : () -> ()
    %mul3A_23 = arith.constant 624 : i32
    %mul3A_24 = arith.muli %arg1, %mul3A_23 : i32
    %add3A_25 = arith.constant 416 : i32
    %add3A_26 = arith.addi %mul3A_24, %add3A_25 : i32
    "tpu.region"() ({
      %run_scoped3A = tpu.sem_alloc : memref<!tpu.dma_semaphore, #tpu.memory_space<semaphore_mem>>
      %dma_start3A = arith.constant 0 : i32
      %dma_start3A_59 = arith.constant 0 : i32
      %dma_start3A_60 = tpu.memref_slice %arg10[%dma_start3A, %dma_start3A_59] : memref<128x128xf32, #tpu.memory_space<vmem>> -> memref<104x128xf32, #tpu.memory_space<vmem>>
      %dma_start3A_61 = arith.constant 0 : i32
      %dma_start3A_62 = tpu.memref_slice %arg11[%add3A_26, %dma_start3A_61] : memref<10000x128xf32, #tpu.memory_space<vmem_shared>> -> memref<104x128xf32, #tpu.memory_space<vmem_shared>>
      %dma_start3A_63 = arith.constant 0 : i32
      %dma_start3A_64 = tpu.memref_slice %arg11[%add3A_26, %dma_start3A_63] : memref<10000x128xf32, #tpu.memory_space<vmem_shared>> -> memref<104x128xf32, #tpu.memory_space<vmem_shared>>
      %dma_start3A_65 = arith.constant 0 : i32
      %dma_start3A_66 = arith.constant 0 : i32
      %dma_start3A_67 = tpu.memref_slice %arg10[%dma_start3A_65, %dma_start3A_66] : memref<128x128xf32, #tpu.memory_space<vmem>> -> memref<104x128xf32, #tpu.memory_space<vmem>>
      tpu.enqueue_dma source(%dma_start3A_67 : memref<104x128xf32, #tpu.memory_space<vmem>>) target(%dma_start3A_64 : memref<104x128xf32, #tpu.memory_space<vmem_shared>>) target_semaphore(%run_scoped3A : memref<!tpu.dma_semaphore, #tpu.memory_space<semaphore_mem>>)
      %dma_wait3A = arith.constant 0 : i32
      %dma_wait3A_68 = arith.constant 0 : i32
      %dma_wait3A_69 = tpu.memref_slice %arg10[%dma_wait3A, %dma_wait3A_68] : memref<128x128xf32, #tpu.memory_space<vmem>> -> memref<104x128xf32, #tpu.memory_space<vmem>>
      %dma_wait3A_70 = arith.constant 0 : i32
      %dma_wait3A_71 = tpu.memref_slice %arg11[%add3A_26, %dma_wait3A_70] : memref<10000x128xf32, #tpu.memory_space<vmem_shared>> -> memref<104x128xf32, #tpu.memory_space<vmem_shared>>
      %dma_wait3A_72 = arith.constant 0 : i32
      %dma_wait3A_73 = tpu.memref_slice %arg11[%add3A_26, %dma_wait3A_72] : memref<10000x128xf32, #tpu.memory_space<vmem_shared>> -> memref<104x128xf32, #tpu.memory_space<vmem_shared>>
      %dma_wait3A_74 = arith.constant 0 : i32
      %dma_wait3A_75 = arith.constant 0 : i32
      %dma_wait3A_76 = tpu.memref_slice %arg10[%dma_wait3A_74, %dma_wait3A_75] : memref<128x128xf32, #tpu.memory_space<vmem>> -> memref<104x128xf32, #tpu.memory_space<vmem>>
      tpu.wait_dma2 semaphore(%run_scoped3A : memref<!tpu.dma_semaphore, #tpu.memory_space<semaphore_mem>>) src(%dma_wait3A_76 : memref<104x128xf32, #tpu.memory_space<vmem>>) dst(%dma_wait3A_73 : memref<104x128xf32, #tpu.memory_space<vmem_shared>>)
      tpu.yield
    }) : () -> ()
    %mul3A_27 = arith.constant 624 : i32
    %mul3A_28 = arith.muli %arg1, %mul3A_27 : i32
    %add3A_29 = arith.constant 520 : i32
    %add3A_30 = arith.addi %mul3A_28, %add3A_29 : i32
    "tpu.region"() ({
      %run_scoped3A = tpu.sem_alloc : memref<!tpu.dma_semaphore, #tpu.memory_space<semaphore_mem>>
      %dma_start3A = arith.constant 0 : i32
      %dma_start3A_59 = arith.constant 0 : i32
      %dma_start3A_60 = tpu.memref_slice %arg10[%dma_start3A, %dma_start3A_59] : memref<128x128xf32, #tpu.memory_space<vmem>> -> memref<104x128xf32, #tpu.memory_space<vmem>>
      %dma_start3A_61 = arith.constant 0 : i32
      %dma_start3A_62 = tpu.memref_slice %arg11[%add3A_30, %dma_start3A_61] : memref<10000x128xf32, #tpu.memory_space<vmem_shared>> -> memref<104x128xf32, #tpu.memory_space<vmem_shared>>
      %dma_start3A_63 = arith.constant 0 : i32
      %dma_start3A_64 = tpu.memref_slice %arg11[%add3A_30, %dma_start3A_63] : memref<10000x128xf32, #tpu.memory_space<vmem_shared>> -> memref<104x128xf32, #tpu.memory_space<vmem_shared>>
      %dma_start3A_65 = arith.constant 0 : i32
      %dma_start3A_66 = arith.constant 0 : i32
      %dma_start3A_67 = tpu.memref_slice %arg10[%dma_start3A_65, %dma_start3A_66] : memref<128x128xf32, #tpu.memory_space<vmem>> -> memref<104x128xf32, #tpu.memory_space<vmem>>
      tpu.enqueue_dma source(%dma_start3A_67 : memref<104x128xf32, #tpu.memory_space<vmem>>) target(%dma_start3A_64 : memref<104x128xf32, #tpu.memory_space<vmem_shared>>) target_semaphore(%run_scoped3A : memref<!tpu.dma_semaphore, #tpu.memory_space<semaphore_mem>>)
      %dma_wait3A = arith.constant 0 : i32
      %dma_wait3A_68 = arith.constant 0 : i32
      %dma_wait3A_69 = tpu.memref_slice %arg10[%dma_wait3A, %dma_wait3A_68] : memref<128x128xf32, #tpu.memory_space<vmem>> -> memref<104x128xf32, #tpu.memory_space<vmem>>
      %dma_wait3A_70 = arith.constant 0 : i32
      %dma_wait3A_71 = tpu.memref_slice %arg11[%add3A_30, %dma_wait3A_70] : memref<10000x128xf32, #tpu.memory_space<vmem_shared>> -> memref<104x128xf32, #tpu.memory_space<vmem_shared>>
      %dma_wait3A_72 = arith.constant 0 : i32
      %dma_wait3A_73 = tpu.memref_slice %arg11[%add3A_30, %dma_wait3A_72] : memref<10000x128xf32, #tpu.memory_space<vmem_shared>> -> memref<104x128xf32, #tpu.memory_space<vmem_shared>>
      %dma_wait3A_74 = arith.constant 0 : i32
      %dma_wait3A_75 = arith.constant 0 : i32
      %dma_wait3A_76 = tpu.memref_slice %arg10[%dma_wait3A_74, %dma_wait3A_75] : memref<128x128xf32, #tpu.memory_space<vmem>> -> memref<104x128xf32, #tpu.memory_space<vmem>>
      tpu.wait_dma2 semaphore(%run_scoped3A : memref<!tpu.dma_semaphore, #tpu.memory_space<semaphore_mem>>) src(%dma_wait3A_76 : memref<104x128xf32, #tpu.memory_space<vmem>>) dst(%dma_wait3A_73 : memref<104x128xf32, #tpu.memory_space<vmem_shared>>)
      tpu.yield
    }) : () -> ()
    %eq3A = arith.constant 15 : i32
    %eq3A_31 = arith.cmpi eq, %arg1, %eq3A : i32
    %convert_element_type3A = arith.extui %eq3A_31 : i1 to i32
    %cond3A = arith.constant 0 : i32
    %cond3A_32 = arith.cmpi ne, %convert_element_type3A, %cond3A : i32
    scf.if %cond3A_32 {
      "tpu.region"() ({
        %run_scoped3A = tpu.sem_alloc : memref<!tpu.dma_semaphore, #tpu.memory_space<semaphore_mem>>
        %dma_start3A = arith.constant 0 : i32
        %dma_start3A_59 = arith.constant 0 : i32
        %dma_start3A_60 = tpu.memref_slice %arg10[%dma_start3A, %dma_start3A_59] : memref<128x128xf32, #tpu.memory_space<vmem>> -> memref<16x128xf32, #tpu.memory_space<vmem>>
        %dma_start3A_61 = arith.constant 9984 : i32
        %dma_start3A_62 = arith.constant 0 : i32
        %dma_start3A_63 = tpu.memref_slice %arg11[%dma_start3A_61, %dma_start3A_62] : memref<10000x128xf32, #tpu.memory_space<vmem_shared>> -> memref<16x128xf32, #tpu.memory_space<vmem_shared>>
        %dma_start3A_64 = arith.constant 9984 : i32
        %dma_start3A_65 = arith.constant 0 : i32
        %dma_start3A_66 = tpu.memref_slice %arg11[%dma_start3A_64, %dma_start3A_65] : memref<10000x128xf32, #tpu.memory_space<vmem_shared>> -> memref<16x128xf32, #tpu.memory_space<vmem_shared>>
        %dma_start3A_67 = arith.constant 0 : i32
        %dma_start3A_68 = arith.constant 0 : i32
        %dma_start3A_69 = tpu.memref_slice %arg10[%dma_start3A_67, %dma_start3A_68] : memref<128x128xf32, #tpu.memory_space<vmem>> -> memref<16x128xf32, #tpu.memory_space<vmem>>
        tpu.enqueue_dma source(%dma_start3A_69 : memref<16x128xf32, #tpu.memory_space<vmem>>) target(%dma_start3A_66 : memref<16x128xf32, #tpu.memory_space<vmem_shared>>) target_semaphore(%run_scoped3A : memref<!tpu.dma_semaphore, #tpu.memory_space<semaphore_mem>>)
        %dma_wait3A = arith.constant 0 : i32
        %dma_wait3A_70 = arith.constant 0 : i32
        %dma_wait3A_71 = tpu.memref_slice %arg10[%dma_wait3A, %dma_wait3A_70] : memref<128x128xf32, #tpu.memory_space<vmem>> -> memref<16x128xf32, #tpu.memory_space<vmem>>
        %dma_wait3A_72 = arith.constant 9984 : i32
        %dma_wait3A_73 = arith.constant 0 : i32
        %dma_wait3A_74 = tpu.memref_slice %arg11[%dma_wait3A_72, %dma_wait3A_73] : memref<10000x128xf32, #tpu.memory_space<vmem_shared>> -> memref<16x128xf32, #tpu.memory_space<vmem_shared>>
        %dma_wait3A_75 = arith.constant 9984 : i32
        %dma_wait3A_76 = arith.constant 0 : i32
        %dma_wait3A_77 = tpu.memref_slice %arg11[%dma_wait3A_75, %dma_wait3A_76] : memref<10000x128xf32, #tpu.memory_space<vmem_shared>> -> memref<16x128xf32, #tpu.memory_space<vmem_shared>>
        %dma_wait3A_78 = arith.constant 0 : i32
        %dma_wait3A_79 = arith.constant 0 : i32
        %dma_wait3A_80 = tpu.memref_slice %arg10[%dma_wait3A_78, %dma_wait3A_79] : memref<128x128xf32, #tpu.memory_space<vmem>> -> memref<16x128xf32, #tpu.memory_space<vmem>>
        tpu.wait_dma2 semaphore(%run_scoped3A : memref<!tpu.dma_semaphore, #tpu.memory_space<semaphore_mem>>) src(%dma_wait3A_80 : memref<16x128xf32, #tpu.memory_space<vmem>>) dst(%dma_wait3A_77 : memref<16x128xf32, #tpu.memory_space<vmem_shared>>)
        tpu.yield
      }) : () -> ()
    } else {
    }
    %barrier3A = arith.constant 0 : index
    tpu.barrier barrier_id(%barrier3A)
    %lt3A = arith.constant 4 : i32
    %lt3A_33 = arith.cmpi slt, %add3A, %lt3A : i32
    %jit3A = arith.constant 1 : i32
    %jit3A_34 = arith.constant 0 : i32
    %select_n3A = arith.select %lt3A_33, %jit3A, %jit3A_34 : i32
    %add3A_35 = arith.constant 78 : i32
    %add3A_36 = arith.addi %add3A_35, %select_n3A : i32
    %while3A = arith.constant 0 : i32
    %while3A_37 = arith.constant 0 : i32
    %while3A_38 = arith.subi %add3A_36, %while3A_37 : i32
    %while3A_39 = arith.addi %while3A_37, %while3A_38 : i32
    %while3A_40 = arith.constant 1 : i32
    %while3A_41 = arith.divsi %while3A_38, %while3A_40 : i32
    %while3A_42 = arith.muli %while3A_41, %while3A_40 : i32
    %while3A_43 = arith.addi %while3A_37, %while3A_42 : i32
    %while3A_44 = arith.constant 1 : i32
    scf.for %while3A_59 = %while3A_37 to %while3A_43 step %while3A_44  : i32 {
      %mul3A_60 = arith.constant 32 : i32
      %mul3A_61 = arith.muli %while3A_59, %mul3A_60 : i32
      %add3A_62 = arith.addi %add3A, %mul3A_61 : i32
      %mul3A_63 = arith.constant 128 : i32
      %mul3A_64 = arith.muli %add3A_62, %mul3A_63 : i32
      "tpu.region"() ({
        %run_scoped3A = tpu.sem_alloc : memref<!tpu.dma_semaphore, #tpu.memory_space<semaphore_mem>>
        %dma_start3A_75 = tpu.memref_slice %arg3[%mul3A_64] : memref<320000xi32, #tpu.memory_space<hbm>> -> memref<128xi32, #tpu.memory_space<hbm>>
        %dma_start3A_76 = tpu.memref_slice %arg3[%mul3A_64] : memref<320000xi32, #tpu.memory_space<hbm>> -> memref<128xi32, #tpu.memory_space<hbm>>
        tpu.enqueue_dma source(%dma_start3A_76 : memref<128xi32, #tpu.memory_space<hbm>>) target(%arg7 : memref<128xi32, #tpu.memory_space<vmem>>) target_semaphore(%run_scoped3A : memref<!tpu.dma_semaphore, #tpu.memory_space<semaphore_mem>>)
        %dma_wait3A_77 = tpu.memref_slice %arg3[%mul3A_64] : memref<320000xi32, #tpu.memory_space<hbm>> -> memref<128xi32, #tpu.memory_space<hbm>>
        %dma_wait3A_78 = tpu.memref_slice %arg3[%mul3A_64] : memref<320000xi32, #tpu.memory_space<hbm>> -> memref<128xi32, #tpu.memory_space<hbm>>
        tpu.wait_dma2 semaphore(%run_scoped3A : memref<!tpu.dma_semaphore, #tpu.memory_space<semaphore_mem>>) src(%dma_wait3A_78 : memref<128xi32, #tpu.memory_space<hbm>>) dst(%arg7 : memref<128xi32, #tpu.memory_space<vmem>>)
        tpu.yield
      }) : () -> ()
      "tpu.region"() ({
        %run_scoped3A = tpu.sem_alloc : memref<!tpu.dma_semaphore, #tpu.memory_space<semaphore_mem>>
        %dma_start3A_75 = tpu.memref_slice %arg4[%mul3A_64] : memref<320000xi32, #tpu.memory_space<hbm>> -> memref<128xi32, #tpu.memory_space<hbm>>
        %dma_start3A_76 = tpu.memref_slice %arg4[%mul3A_64] : memref<320000xi32, #tpu.memory_space<hbm>> -> memref<128xi32, #tpu.memory_space<hbm>>
        tpu.enqueue_dma source(%dma_start3A_76 : memref<128xi32, #tpu.memory_space<hbm>>) target(%arg8 : memref<128xi32, #tpu.memory_space<vmem>>) target_semaphore(%run_scoped3A : memref<!tpu.dma_semaphore, #tpu.memory_space<semaphore_mem>>)
        %dma_wait3A_77 = tpu.memref_slice %arg4[%mul3A_64] : memref<320000xi32, #tpu.memory_space<hbm>> -> memref<128xi32, #tpu.memory_space<hbm>>
        %dma_wait3A_78 = tpu.memref_slice %arg4[%mul3A_64] : memref<320000xi32, #tpu.memory_space<hbm>> -> memref<128xi32, #tpu.memory_space<hbm>>
        tpu.wait_dma2 semaphore(%run_scoped3A : memref<!tpu.dma_semaphore, #tpu.memory_space<semaphore_mem>>) src(%dma_wait3A_78 : memref<128xi32, #tpu.memory_space<hbm>>) dst(%arg8 : memref<128xi32, #tpu.memory_space<vmem>>)
        tpu.yield
      }) : () -> ()
      %dma_start3A = arith.constant 0 : i32
      %dma_start3A_65 = arith.constant 0 : i32
      %dma_start3A_66 = tpu.memref_slice %arg2[%dma_start3A, %dma_start3A_65] : memref<10000x128xf32, #tpu.memory_space<hbm>> -> memref<10000x128xf32, #tpu.memory_space<hbm>>
      tpu.enqueue_indirect_dma source(%dma_start3A_66 : memref<10000x128xf32, #tpu.memory_space<hbm>>) target(%arg9 : memref<128x128xf32, #tpu.memory_space<vmem>>) offsets(%arg7 : memref<128xi32, #tpu.memory_space<vmem>>) semaphore(%arg12 : memref<!tpu.dma_semaphore, #tpu.memory_space<semaphore_mem>>)
      "tpu.region"() ({
        %run_scoped3A = tpu.sem_alloc : memref<!tpu.dma_semaphore, #tpu.memory_space<semaphore_mem>>
        %dma_start3A_75 = arith.constant 0 : i32
        %dma_start3A_76 = tpu.memref_slice %arg5[%mul3A_64, %dma_start3A_75] : memref<320000x128xf32, #tpu.memory_space<hbm>> -> memref<128x128xf32, #tpu.memory_space<hbm>>
        %dma_start3A_77 = arith.constant 0 : i32
        %dma_start3A_78 = tpu.memref_slice %arg5[%mul3A_64, %dma_start3A_77] : memref<320000x128xf32, #tpu.memory_space<hbm>> -> memref<128x128xf32, #tpu.memory_space<hbm>>
        tpu.enqueue_dma source(%dma_start3A_78 : memref<128x128xf32, #tpu.memory_space<hbm>>) target(%arg10 : memref<128x128xf32, #tpu.memory_space<vmem>>) target_semaphore(%run_scoped3A : memref<!tpu.dma_semaphore, #tpu.memory_space<semaphore_mem>>)
        %dma_wait3A_79 = arith.constant 0 : i32
        %dma_wait3A_80 = tpu.memref_slice %arg5[%mul3A_64, %dma_wait3A_79] : memref<320000x128xf32, #tpu.memory_space<hbm>> -> memref<128x128xf32, #tpu.memory_space<hbm>>
        %dma_wait3A_81 = arith.constant 0 : i32
        %dma_wait3A_82 = tpu.memref_slice %arg5[%mul3A_64, %dma_wait3A_81] : memref<320000x128xf32, #tpu.memory_space<hbm>> -> memref<128x128xf32, #tpu.memory_space<hbm>>
        tpu.wait_dma2 semaphore(%run_scoped3A : memref<!tpu.dma_semaphore, #tpu.memory_space<semaphore_mem>>) src(%dma_wait3A_82 : memref<128x128xf32, #tpu.memory_space<hbm>>) dst(%arg10 : memref<128x128xf32, #tpu.memory_space<vmem>>)
        tpu.yield
      }) : () -> ()
      %dma_wait3A = arith.constant 0 : i32
      %dma_wait3A_67 = arith.constant 0 : i32
      %dma_wait3A_68 = tpu.memref_slice %arg2[%dma_wait3A, %dma_wait3A_67] : memref<10000x128xf32, #tpu.memory_space<hbm>> -> memref<10000x128xf32, #tpu.memory_space<hbm>>
      tpu.wait_indirect_dma semaphore(%arg12 : memref<!tpu.dma_semaphore, #tpu.memory_space<semaphore_mem>>) src(%dma_wait3A_68 : memref<10000x128xf32, #tpu.memory_space<hbm>>) dst(%arg9 : memref<128x128xf32, #tpu.memory_space<vmem>>)
      %scan3A_69 = arith.constant 0 : i32
      %scan3A_70 = arith.constant 0 : i32
      %scan3A_71 = arith.constant 128 : i32
      %scan3A_72 = arith.addi %scan3A_70, %scan3A_71 : i32
      %scan3A_73 = arith.constant 1 : i32
      scf.for %scan3A_75 = %scan3A_70 to %scan3A_72 step %scan3A_73  : i32 {
        %get3A = arith.index_cast %scan3A_75 : i32 to index
        %get3A_76 = arith.constant 0 : index
        %get3A_77 = tpu.vector_load %arg9[%get3A, %get3A_76] {strides = array<i32>} : memref<128x128xf32, #tpu.memory_space<vmem>>, vector<1x16xf32>,
        %get3A_78 = vector.shape_cast %get3A_77 : vector<1x16xf32> to vector<16xf32>
        %get3A_79 = arith.index_cast %scan3A_75 : i32 to index
        %get3A_80 = arith.constant 0 : index
        %get3A_81 = tpu.vector_load %arg10[%get3A_79, %get3A_80] {strides = array<i32>} : memref<128x128xf32, #tpu.memory_space<vmem>>, vector<1x16xf32>,
        %get3A_82 = vector.shape_cast %get3A_81 : vector<1x16xf32> to vector<16xf32>
        %add3A_83 = arith.addf %get3A_78, %get3A_82 : vector<16xf32>
        %mul3A_84 = arith.constant 0.00999999977 : f32
        %mul3A_85 = vector.broadcast %mul3A_84 : f32 to vector<16xf32>
        %mul3A_86 = arith.mulf %mul3A_85, %add3A_83 : vector<16xf32>
        %max3A = arith.maximumf %add3A_83, %mul3A_86 : vector<16xf32>
        %swap3A = arith.index_cast %scan3A_75 : i32 to index
        %swap3A_87 = arith.constant 0 : index
        %swap3A_88 = tpu.vector_load %arg9[%swap3A, %swap3A_87] {strides = array<i32>} : memref<128x128xf32, #tpu.memory_space<vmem>>, vector<1x16xf32>,
        %swap3A_89 = vector.shape_cast %swap3A_88 : vector<1x16xf32> to vector<16xf32>
        %swap3A_90 = vector.shape_cast %max3A : vector<16xf32> to vector<1x16xf32>
        tpu.vector_store %arg9[%swap3A, %swap3A_87], %swap3A_90 {strides = array<i32>} : memref<128x128xf32, #tpu.memory_space<vmem>>, vector<1x16xf32>,
        %get3A_91 = arith.index_cast %scan3A_75 : i32 to index
        %get3A_92 = arith.constant 16 : index
        %get3A_93 = tpu.vector_load %arg9[%get3A_91, %get3A_92] {strides = array<i32>} : memref<128x128xf32, #tpu.memory_space<vmem>>, vector<1x16xf32>,
        %get3A_94 = vector.shape_cast %get3A_93 : vector<1x16xf32> to vector<16xf32>
        %get3A_95 = arith.index_cast %scan3A_75 : i32 to index
        %get3A_96 = arith.constant 16 : index
        %get3A_97 = tpu.vector_load %arg10[%get3A_95, %get3A_96] {strides = array<i32>} : memref<128x128xf32, #tpu.memory_space<vmem>>, vector<1x16xf32>,
        %get3A_98 = vector.shape_cast %get3A_97 : vector<1x16xf32> to vector<16xf32>
        %add3A_99 = arith.addf %get3A_94, %get3A_98 : vector<16xf32>
        %mul3A_100 = arith.constant 0.00999999977 : f32
        %mul3A_101 = vector.broadcast %mul3A_100 : f32 to vector<16xf32>
        %mul3A_102 = arith.mulf %mul3A_101, %add3A_99 : vector<16xf32>
        %max3A_103 = arith.maximumf %add3A_99, %mul3A_102 : vector<16xf32>
        %swap3A_104 = arith.index_cast %scan3A_75 : i32 to index
        %swap3A_105 = arith.constant 16 : index
        %swap3A_106 = tpu.vector_load %arg9[%swap3A_104, %swap3A_105] {strides = array<i32>} : memref<128x128xf32, #tpu.memory_space<vmem>>, vector<1x16xf32>,
        %swap3A_107 = vector.shape_cast %swap3A_106 : vector<1x16xf32> to vector<16xf32>
        %swap3A_108 = vector.shape_cast %max3A_103 : vector<16xf32> to vector<1x16xf32>
        tpu.vector_store %arg9[%swap3A_104, %swap3A_105], %swap3A_108 {strides = array<i32>} : memref<128x128xf32, #tpu.memory_space<vmem>>, vector<1x16xf32>,
        %get3A_109 = arith.index_cast %scan3A_75 : i32 to index
        %get3A_110 = arith.constant 32 : index
        %get3A_111 = tpu.vector_load %arg9[%get3A_109, %get3A_110] {strides = array<i32>} : memref<128x128xf32, #tpu.memory_space<vmem>>, vector<1x16xf32>,
        %get3A_112 = vector.shape_cast %get3A_111 : vector<1x16xf32> to vector<16xf32>
        %get3A_113 = arith.index_cast %scan3A_75 : i32 to index
        %get3A_114 = arith.constant 32 : index
        %get3A_115 = tpu.vector_load %arg10[%get3A_113, %get3A_114] {strides = array<i32>} : memref<128x128xf32, #tpu.memory_space<vmem>>, vector<1x16xf32>,
        %get3A_116 = vector.shape_cast %get3A_115 : vector<1x16xf32> to vector<16xf32>
        %add3A_117 = arith.addf %get3A_112, %get3A_116 : vector<16xf32>
        %mul3A_118 = arith.constant 0.00999999977 : f32
        %mul3A_119 = vector.broadcast %mul3A_118 : f32 to vector<16xf32>
        %mul3A_120 = arith.mulf %mul3A_119, %add3A_117 : vector<16xf32>
        %max3A_121 = arith.maximumf %add3A_117, %mul3A_120 : vector<16xf32>
        %swap3A_122 = arith.index_cast %scan3A_75 : i32 to index
        %swap3A_123 = arith.constant 32 : index
        %swap3A_124 = tpu.vector_load %arg9[%swap3A_122, %swap3A_123] {strides = array<i32>} : memref<128x128xf32, #tpu.memory_space<vmem>>, vector<1x16xf32>,
        %swap3A_125 = vector.shape_cast %swap3A_124 : vector<1x16xf32> to vector<16xf32>
        %swap3A_126 = vector.shape_cast %max3A_121 : vector<16xf32> to vector<1x16xf32>
        tpu.vector_store %arg9[%swap3A_122, %swap3A_123], %swap3A_126 {strides = array<i32>} : memref<128x128xf32, #tpu.memory_space<vmem>>, vector<1x16xf32>,
        %get3A_127 = arith.index_cast %scan3A_75 : i32 to index
        %get3A_128 = arith.constant 48 : index
        %get3A_129 = tpu.vector_load %arg9[%get3A_127, %get3A_128] {strides = array<i32>} : memref<128x128xf32, #tpu.memory_space<vmem>>, vector<1x16xf32>,
        %get3A_130 = vector.shape_cast %get3A_129 : vector<1x16xf32> to vector<16xf32>
        %get3A_131 = arith.index_cast %scan3A_75 : i32 to index
        %get3A_132 = arith.constant 48 : index
        %get3A_133 = tpu.vector_load %arg10[%get3A_131, %get3A_132] {strides = array<i32>} : memref<128x128xf32, #tpu.memory_space<vmem>>, vector<1x16xf32>,
        %get3A_134 = vector.shape_cast %get3A_133 : vector<1x16xf32> to vector<16xf32>
        %add3A_135 = arith.addf %get3A_130, %get3A_134 : vector<16xf32>
        %mul3A_136 = arith.constant 0.00999999977 : f32
        %mul3A_137 = vector.broadcast %mul3A_136 : f32 to vector<16xf32>
        %mul3A_138 = arith.mulf %mul3A_137, %add3A_135 : vector<16xf32>
        %max3A_139 = arith.maximumf %add3A_135, %mul3A_138 : vector<16xf32>
        %swap3A_140 = arith.index_cast %scan3A_75 : i32 to index
        %swap3A_141 = arith.constant 48 : index
        %swap3A_142 = tpu.vector_load %arg9[%swap3A_140, %swap3A_141] {strides = array<i32>} : memref<128x128xf32, #tpu.memory_space<vmem>>, vector<1x16xf32>,
        %swap3A_143 = vector.shape_cast %swap3A_142 : vector<1x16xf32> to vector<16xf32>
        %swap3A_144 = vector.shape_cast %max3A_139 : vector<16xf32> to vector<1x16xf32>
        tpu.vector_store %arg9[%swap3A_140, %swap3A_141], %swap3A_144 {strides = array<i32>} : memref<128x128xf32, #tpu.memory_space<vmem>>, vector<1x16xf32>,
        %get3A_145 = arith.index_cast %scan3A_75 : i32 to index
        %get3A_146 = arith.constant 64 : index
        %get3A_147 = tpu.vector_load %arg9[%get3A_145, %get3A_146] {strides = array<i32>} : memref<128x128xf32, #tpu.memory_space<vmem>>, vector<1x16xf32>,
        %get3A_148 = vector.shape_cast %get3A_147 : vector<1x16xf32> to vector<16xf32>
        %get3A_149 = arith.index_cast %scan3A_75 : i32 to index
        %get3A_150 = arith.constant 64 : index
        %get3A_151 = tpu.vector_load %arg10[%get3A_149, %get3A_150] {strides = array<i32>} : memref<128x128xf32, #tpu.memory_space<vmem>>, vector<1x16xf32>,
        %get3A_152 = vector.shape_cast %get3A_151 : vector<1x16xf32> to vector<16xf32>
        %add3A_153 = arith.addf %get3A_148, %get3A_152 : vector<16xf32>
        %mul3A_154 = arith.constant 0.00999999977 : f32
        %mul3A_155 = vector.broadcast %mul3A_154 : f32 to vector<16xf32>
        %mul3A_156 = arith.mulf %mul3A_155, %add3A_153 : vector<16xf32>
        %max3A_157 = arith.maximumf %add3A_153, %mul3A_156 : vector<16xf32>
        %swap3A_158 = arith.index_cast %scan3A_75 : i32 to index
        %swap3A_159 = arith.constant 64 : index
        %swap3A_160 = tpu.vector_load %arg9[%swap3A_158, %swap3A_159] {strides = array<i32>} : memref<128x128xf32, #tpu.memory_space<vmem>>, vector<1x16xf32>,
        %swap3A_161 = vector.shape_cast %swap3A_160 : vector<1x16xf32> to vector<16xf32>
        %swap3A_162 = vector.shape_cast %max3A_157 : vector<16xf32> to vector<1x16xf32>
        tpu.vector_store %arg9[%swap3A_158, %swap3A_159], %swap3A_162 {strides = array<i32>} : memref<128x128xf32, #tpu.memory_space<vmem>>, vector<1x16xf32>,
        %get3A_163 = arith.index_cast %scan3A_75 : i32 to index
        %get3A_164 = arith.constant 80 : index
        %get3A_165 = tpu.vector_load %arg9[%get3A_163, %get3A_164] {strides = array<i32>} : memref<128x128xf32, #tpu.memory_space<vmem>>, vector<1x16xf32>,
        %get3A_166 = vector.shape_cast %get3A_165 : vector<1x16xf32> to vector<16xf32>
        %get3A_167 = arith.index_cast %scan3A_75 : i32 to index
        %get3A_168 = arith.constant 80 : index
        %get3A_169 = tpu.vector_load %arg10[%get3A_167, %get3A_168] {strides = array<i32>} : memref<128x128xf32, #tpu.memory_space<vmem>>, vector<1x16xf32>,
        %get3A_170 = vector.shape_cast %get3A_169 : vector<1x16xf32> to vector<16xf32>
        %add3A_171 = arith.addf %get3A_166, %get3A_170 : vector<16xf32>
        %mul3A_172 = arith.constant 0.00999999977 : f32
        %mul3A_173 = vector.broadcast %mul3A_172 : f32 to vector<16xf32>
        %mul3A_174 = arith.mulf %mul3A_173, %add3A_171 : vector<16xf32>
        %max3A_175 = arith.maximumf %add3A_171, %mul3A_174 : vector<16xf32>
        %swap3A_176 = arith.index_cast %scan3A_75 : i32 to index
        %swap3A_177 = arith.constant 80 : index
        %swap3A_178 = tpu.vector_load %arg9[%swap3A_176, %swap3A_177] {strides = array<i32>} : memref<128x128xf32, #tpu.memory_space<vmem>>, vector<1x16xf32>,
        %swap3A_179 = vector.shape_cast %swap3A_178 : vector<1x16xf32> to vector<16xf32>
        %swap3A_180 = vector.shape_cast %max3A_175 : vector<16xf32> to vector<1x16xf32>
        tpu.vector_store %arg9[%swap3A_176, %swap3A_177], %swap3A_180 {strides = array<i32>} : memref<128x128xf32, #tpu.memory_space<vmem>>, vector<1x16xf32>,
        %get3A_181 = arith.index_cast %scan3A_75 : i32 to index
        %get3A_182 = arith.constant 96 : index
        %get3A_183 = tpu.vector_load %arg9[%get3A_181, %get3A_182] {strides = array<i32>} : memref<128x128xf32, #tpu.memory_space<vmem>>, vector<1x16xf32>,
        %get3A_184 = vector.shape_cast %get3A_183 : vector<1x16xf32> to vector<16xf32>
        %get3A_185 = arith.index_cast %scan3A_75 : i32 to index
        %get3A_186 = arith.constant 96 : index
        %get3A_187 = tpu.vector_load %arg10[%get3A_185, %get3A_186] {strides = array<i32>} : memref<128x128xf32, #tpu.memory_space<vmem>>, vector<1x16xf32>,
        %get3A_188 = vector.shape_cast %get3A_187 : vector<1x16xf32> to vector<16xf32>
        %add3A_189 = arith.addf %get3A_184, %get3A_188 : vector<16xf32>
        %mul3A_190 = arith.constant 0.00999999977 : f32
        %mul3A_191 = vector.broadcast %mul3A_190 : f32 to vector<16xf32>
        %mul3A_192 = arith.mulf %mul3A_191, %add3A_189 : vector<16xf32>
        %max3A_193 = arith.maximumf %add3A_189, %mul3A_192 : vector<16xf32>
        %swap3A_194 = arith.index_cast %scan3A_75 : i32 to index
        %swap3A_195 = arith.constant 96 : index
        %swap3A_196 = tpu.vector_load %arg9[%swap3A_194, %swap3A_195] {strides = array<i32>} : memref<128x128xf32, #tpu.memory_space<vmem>>, vector<1x16xf32>,
        %swap3A_197 = vector.shape_cast %swap3A_196 : vector<1x16xf32> to vector<16xf32>
        %swap3A_198 = vector.shape_cast %max3A_193 : vector<16xf32> to vector<1x16xf32>
        tpu.vector_store %arg9[%swap3A_194, %swap3A_195], %swap3A_198 {strides = array<i32>} : memref<128x128xf32, #tpu.memory_space<vmem>>, vector<1x16xf32>,
        %get3A_199 = arith.index_cast %scan3A_75 : i32 to index
        %get3A_200 = arith.constant 112 : index
        %get3A_201 = tpu.vector_load %arg9[%get3A_199, %get3A_200] {strides = array<i32>} : memref<128x128xf32, #tpu.memory_space<vmem>>, vector<1x16xf32>,
        %get3A_202 = vector.shape_cast %get3A_201 : vector<1x16xf32> to vector<16xf32>
        %get3A_203 = arith.index_cast %scan3A_75 : i32 to index
        %get3A_204 = arith.constant 112 : index
        %get3A_205 = tpu.vector_load %arg10[%get3A_203, %get3A_204] {strides = array<i32>} : memref<128x128xf32, #tpu.memory_space<vmem>>, vector<1x16xf32>,
        %get3A_206 = vector.shape_cast %get3A_205 : vector<1x16xf32> to vector<16xf32>
        %add3A_207 = arith.addf %get3A_202, %get3A_206 : vector<16xf32>
        %mul3A_208 = arith.constant 0.00999999977 : f32
        %mul3A_209 = vector.broadcast %mul3A_208 : f32 to vector<16xf32>
        %mul3A_210 = arith.mulf %mul3A_209, %add3A_207 : vector<16xf32>
        %max3A_211 = arith.maximumf %add3A_207, %mul3A_210 : vector<16xf32>
        %swap3A_212 = arith.index_cast %scan3A_75 : i32 to index
        %swap3A_213 = arith.constant 112 : index
        %swap3A_214 = tpu.vector_load %arg9[%swap3A_212, %swap3A_213] {strides = array<i32>} : memref<128x128xf32, #tpu.memory_space<vmem>>, vector<1x16xf32>,
        %swap3A_215 = vector.shape_cast %swap3A_214 : vector<1x16xf32> to vector<16xf32>
        %swap3A_216 = vector.shape_cast %max3A_211 : vector<16xf32> to vector<1x16xf32>
        tpu.vector_store %arg9[%swap3A_212, %swap3A_213], %swap3A_216 {strides = array<i32>} : memref<128x128xf32, #tpu.memory_space<vmem>>, vector<1x16xf32>,
      }
      %scan3A_74 = arith.constant 128 : i32
      "tpu.region"() ({
        %run_scoped3A = tpu.sem_alloc : memref<!tpu.dma_semaphore, #tpu.memory_space<semaphore_mem>>
        %dma_start3A_75 = arith.constant 0 : i32
        %dma_start3A_76 = arith.constant 0 : i32
        %dma_start3A_77 = tpu.memref_slice %arg11[%dma_start3A_75, %dma_start3A_76] : memref<10000x128xf32, #tpu.memory_space<vmem_shared>> -> memref<10000x128xf32, #tpu.memory_space<vmem_shared>>
        tpu.enqueue_indirect_dma source(%arg9 : memref<128x128xf32, #tpu.memory_space<vmem>>) target(%dma_start3A_77 : memref<10000x128xf32, #tpu.memory_space<vmem_shared>>) offsets(%arg8 : memref<128xi32, #tpu.memory_space<vmem>>) semaphore(%run_scoped3A : memref<!tpu.dma_semaphore, #tpu.memory_space<semaphore_mem>>) {add = true}
        %dma_wait3A_78 = arith.constant 0 : i32
        %dma_wait3A_79 = arith.constant 0 : i32
        %dma_wait3A_80 = tpu.memref_slice %arg11[%dma_wait3A_78, %dma_wait3A_79] : memref<10000x128xf32, #tpu.memory_space<vmem_shared>> -> memref<10000x128xf32, #tpu.memory_space<vmem_shared>>
        tpu.wait_indirect_dma semaphore(%run_scoped3A : memref<!tpu.dma_semaphore, #tpu.memory_space<semaphore_mem>>) src(%arg9 : memref<128x128xf32, #tpu.memory_space<vmem>>) dst(%dma_wait3A_80 : memref<10000x128xf32, #tpu.memory_space<vmem_shared>>)
        tpu.yield
      }) : () -> ()
    }
    %while3A_45 = arith.constant 1 : i32
    scf.for %while3A_59 = %while3A_43 to %while3A_39 step %while3A_45  : i32 {
      %mul3A_60 = arith.constant 32 : i32
      %mul3A_61 = arith.muli %while3A_59, %mul3A_60 : i32
      %add3A_62 = arith.addi %add3A, %mul3A_61 : i32
      %mul3A_63 = arith.constant 128 : i32
      %mul3A_64 = arith.muli %add3A_62, %mul3A_63 : i32
      "tpu.region"() ({
        %run_scoped3A = tpu.sem_alloc : memref<!tpu.dma_semaphore, #tpu.memory_space<semaphore_mem>>
        %dma_start3A_75 = tpu.memref_slice %arg3[%mul3A_64] : memref<320000xi32, #tpu.memory_space<hbm>> -> memref<128xi32, #tpu.memory_space<hbm>>
        %dma_start3A_76 = tpu.memref_slice %arg3[%mul3A_64] : memref<320000xi32, #tpu.memory_space<hbm>> -> memref<128xi32, #tpu.memory_space<hbm>>
        tpu.enqueue_dma source(%dma_start3A_76 : memref<128xi32, #tpu.memory_space<hbm>>) target(%arg7 : memref<128xi32, #tpu.memory_space<vmem>>) target_semaphore(%run_scoped3A : memref<!tpu.dma_semaphore, #tpu.memory_space<semaphore_mem>>)
        %dma_wait3A_77 = tpu.memref_slice %arg3[%mul3A_64] : memref<320000xi32, #tpu.memory_space<hbm>> -> memref<128xi32, #tpu.memory_space<hbm>>
        %dma_wait3A_78 = tpu.memref_slice %arg3[%mul3A_64] : memref<320000xi32, #tpu.memory_space<hbm>> -> memref<128xi32, #tpu.memory_space<hbm>>
        tpu.wait_dma2 semaphore(%run_scoped3A : memref<!tpu.dma_semaphore, #tpu.memory_space<semaphore_mem>>) src(%dma_wait3A_78 : memref<128xi32, #tpu.memory_space<hbm>>) dst(%arg7 : memref<128xi32, #tpu.memory_space<vmem>>)
        tpu.yield
      }) : () -> ()
      "tpu.region"() ({
        %run_scoped3A = tpu.sem_alloc : memref<!tpu.dma_semaphore, #tpu.memory_space<semaphore_mem>>
        %dma_start3A_75 = tpu.memref_slice %arg4[%mul3A_64] : memref<320000xi32, #tpu.memory_space<hbm>> -> memref<128xi32, #tpu.memory_space<hbm>>
        %dma_start3A_76 = tpu.memref_slice %arg4[%mul3A_64] : memref<320000xi32, #tpu.memory_space<hbm>> -> memref<128xi32, #tpu.memory_space<hbm>>
        tpu.enqueue_dma source(%dma_start3A_76 : memref<128xi32, #tpu.memory_space<hbm>>) target(%arg8 : memref<128xi32, #tpu.memory_space<vmem>>) target_semaphore(%run_scoped3A : memref<!tpu.dma_semaphore, #tpu.memory_space<semaphore_mem>>)
        %dma_wait3A_77 = tpu.memref_slice %arg4[%mul3A_64] : memref<320000xi32, #tpu.memory_space<hbm>> -> memref<128xi32, #tpu.memory_space<hbm>>
        %dma_wait3A_78 = tpu.memref_slice %arg4[%mul3A_64] : memref<320000xi32, #tpu.memory_space<hbm>> -> memref<128xi32, #tpu.memory_space<hbm>>
        tpu.wait_dma2 semaphore(%run_scoped3A : memref<!tpu.dma_semaphore, #tpu.memory_space<semaphore_mem>>) src(%dma_wait3A_78 : memref<128xi32, #tpu.memory_space<hbm>>) dst(%arg8 : memref<128xi32, #tpu.memory_space<vmem>>)
        tpu.yield
      }) : () -> ()
      %dma_start3A = arith.constant 0 : i32
      %dma_start3A_65 = arith.constant 0 : i32
      %dma_start3A_66 = tpu.memref_slice %arg2[%dma_start3A, %dma_start3A_65] : memref<10000x128xf32, #tpu.memory_space<hbm>> -> memref<10000x128xf32, #tpu.memory_space<hbm>>
      tpu.enqueue_indirect_dma source(%dma_start3A_66 : memref<10000x128xf32, #tpu.memory_space<hbm>>) target(%arg9 : memref<128x128xf32, #tpu.memory_space<vmem>>) offsets(%arg7 : memref<128xi32, #tpu.memory_space<vmem>>) semaphore(%arg12 : memref<!tpu.dma_semaphore, #tpu.memory_space<semaphore_mem>>)
      "tpu.region"() ({
        %run_scoped3A = tpu.sem_alloc : memref<!tpu.dma_semaphore, #tpu.memory_space<semaphore_mem>>
        %dma_start3A_75 = arith.constant 0 : i32
        %dma_start3A_76 = tpu.memref_slice %arg5[%mul3A_64, %dma_start3A_75] : memref<320000x128xf32, #tpu.memory_space<hbm>> -> memref<128x128xf32, #tpu.memory_space<hbm>>
        %dma_start3A_77 = arith.constant 0 : i32
        %dma_start3A_78 = tpu.memref_slice %arg5[%mul3A_64, %dma_start3A_77] : memref<320000x128xf32, #tpu.memory_space<hbm>> -> memref<128x128xf32, #tpu.memory_space<hbm>>
        tpu.enqueue_dma source(%dma_start3A_78 : memref<128x128xf32, #tpu.memory_space<hbm>>) target(%arg10 : memref<128x128xf32, #tpu.memory_space<vmem>>) target_semaphore(%run_scoped3A : memref<!tpu.dma_semaphore, #tpu.memory_space<semaphore_mem>>)
        %dma_wait3A_79 = arith.constant 0 : i32
        %dma_wait3A_80 = tpu.memref_slice %arg5[%mul3A_64, %dma_wait3A_79] : memref<320000x128xf32, #tpu.memory_space<hbm>> -> memref<128x128xf32, #tpu.memory_space<hbm>>
        %dma_wait3A_81 = arith.constant 0 : i32
        %dma_wait3A_82 = tpu.memref_slice %arg5[%mul3A_64, %dma_wait3A_81] : memref<320000x128xf32, #tpu.memory_space<hbm>> -> memref<128x128xf32, #tpu.memory_space<hbm>>
        tpu.wait_dma2 semaphore(%run_scoped3A : memref<!tpu.dma_semaphore, #tpu.memory_space<semaphore_mem>>) src(%dma_wait3A_82 : memref<128x128xf32, #tpu.memory_space<hbm>>) dst(%arg10 : memref<128x128xf32, #tpu.memory_space<vmem>>)
        tpu.yield
      }) : () -> ()
      %dma_wait3A = arith.constant 0 : i32
      %dma_wait3A_67 = arith.constant 0 : i32
      %dma_wait3A_68 = tpu.memref_slice %arg2[%dma_wait3A, %dma_wait3A_67] : memref<10000x128xf32, #tpu.memory_space<hbm>> -> memref<10000x128xf32, #tpu.memory_space<hbm>>
      tpu.wait_indirect_dma semaphore(%arg12 : memref<!tpu.dma_semaphore, #tpu.memory_space<semaphore_mem>>) src(%dma_wait3A_68 : memref<10000x128xf32, #tpu.memory_space<hbm>>) dst(%arg9 : memref<128x128xf32, #tpu.memory_space<vmem>>)
      %scan3A_69 = arith.constant 0 : i32
      %scan3A_70 = arith.constant 0 : i32
      %scan3A_71 = arith.constant 128 : i32
      %scan3A_72 = arith.addi %scan3A_70, %scan3A_71 : i32
      %scan3A_73 = arith.constant 1 : i32
      scf.for %scan3A_75 = %scan3A_70 to %scan3A_72 step %scan3A_73  : i32 {
        %get3A = arith.index_cast %scan3A_75 : i32 to index
        %get3A_76 = arith.constant 0 : index
        %get3A_77 = tpu.vector_load %arg9[%get3A, %get3A_76] {strides = array<i32>} : memref<128x128xf32, #tpu.memory_space<vmem>>, vector<1x16xf32>,
        %get3A_78 = vector.shape_cast %get3A_77 : vector<1x16xf32> to vector<16xf32>
        %get3A_79 = arith.index_cast %scan3A_75 : i32 to index
        %get3A_80 = arith.constant 0 : index
        %get3A_81 = tpu.vector_load %arg10[%get3A_79, %get3A_80] {strides = array<i32>} : memref<128x128xf32, #tpu.memory_space<vmem>>, vector<1x16xf32>,
        %get3A_82 = vector.shape_cast %get3A_81 : vector<1x16xf32> to vector<16xf32>
        %add3A_83 = arith.addf %get3A_78, %get3A_82 : vector<16xf32>
        %mul3A_84 = arith.constant 0.00999999977 : f32
        %mul3A_85 = vector.broadcast %mul3A_84 : f32 to vector<16xf32>
        %mul3A_86 = arith.mulf %mul3A_85, %add3A_83 : vector<16xf32>
        %max3A = arith.maximumf %add3A_83, %mul3A_86 : vector<16xf32>
        %swap3A = arith.index_cast %scan3A_75 : i32 to index
        %swap3A_87 = arith.constant 0 : index
        %swap3A_88 = tpu.vector_load %arg9[%swap3A, %swap3A_87] {strides = array<i32>} : memref<128x128xf32, #tpu.memory_space<vmem>>, vector<1x16xf32>,
        %swap3A_89 = vector.shape_cast %swap3A_88 : vector<1x16xf32> to vector<16xf32>
        %swap3A_90 = vector.shape_cast %max3A : vector<16xf32> to vector<1x16xf32>
        tpu.vector_store %arg9[%swap3A, %swap3A_87], %swap3A_90 {strides = array<i32>} : memref<128x128xf32, #tpu.memory_space<vmem>>, vector<1x16xf32>,
        %get3A_91 = arith.index_cast %scan3A_75 : i32 to index
        %get3A_92 = arith.constant 16 : index
        %get3A_93 = tpu.vector_load %arg9[%get3A_91, %get3A_92] {strides = array<i32>} : memref<128x128xf32, #tpu.memory_space<vmem>>, vector<1x16xf32>,
        %get3A_94 = vector.shape_cast %get3A_93 : vector<1x16xf32> to vector<16xf32>
        %get3A_95 = arith.index_cast %scan3A_75 : i32 to index
        %get3A_96 = arith.constant 16 : index
        %get3A_97 = tpu.vector_load %arg10[%get3A_95, %get3A_96] {strides = array<i32>} : memref<128x128xf32, #tpu.memory_space<vmem>>, vector<1x16xf32>,
        %get3A_98 = vector.shape_cast %get3A_97 : vector<1x16xf32> to vector<16xf32>
        %add3A_99 = arith.addf %get3A_94, %get3A_98 : vector<16xf32>
        %mul3A_100 = arith.constant 0.00999999977 : f32
        %mul3A_101 = vector.broadcast %mul3A_100 : f32 to vector<16xf32>
        %mul3A_102 = arith.mulf %mul3A_101, %add3A_99 : vector<16xf32>
        %max3A_103 = arith.maximumf %add3A_99, %mul3A_102 : vector<16xf32>
        %swap3A_104 = arith.index_cast %scan3A_75 : i32 to index
        %swap3A_105 = arith.constant 16 : index
        %swap3A_106 = tpu.vector_load %arg9[%swap3A_104, %swap3A_105] {strides = array<i32>} : memref<128x128xf32, #tpu.memory_space<vmem>>, vector<1x16xf32>,
        %swap3A_107 = vector.shape_cast %swap3A_106 : vector<1x16xf32> to vector<16xf32>
        %swap3A_108 = vector.shape_cast %max3A_103 : vector<16xf32> to vector<1x16xf32>
        tpu.vector_store %arg9[%swap3A_104, %swap3A_105], %swap3A_108 {strides = array<i32>} : memref<128x128xf32, #tpu.memory_space<vmem>>, vector<1x16xf32>,
        %get3A_109 = arith.index_cast %scan3A_75 : i32 to index
        %get3A_110 = arith.constant 32 : index
        %get3A_111 = tpu.vector_load %arg9[%get3A_109, %get3A_110] {strides = array<i32>} : memref<128x128xf32, #tpu.memory_space<vmem>>, vector<1x16xf32>,
        %get3A_112 = vector.shape_cast %get3A_111 : vector<1x16xf32> to vector<16xf32>
        %get3A_113 = arith.index_cast %scan3A_75 : i32 to index
        %get3A_114 = arith.constant 32 : index
        %get3A_115 = tpu.vector_load %arg10[%get3A_113, %get3A_114] {strides = array<i32>} : memref<128x128xf32, #tpu.memory_space<vmem>>, vector<1x16xf32>,
        %get3A_116 = vector.shape_cast %get3A_115 : vector<1x16xf32> to vector<16xf32>
        %add3A_117 = arith.addf %get3A_112, %get3A_116 : vector<16xf32>
        %mul3A_118 = arith.constant 0.00999999977 : f32
        %mul3A_119 = vector.broadcast %mul3A_118 : f32 to vector<16xf32>
        %mul3A_120 = arith.mulf %mul3A_119, %add3A_117 : vector<16xf32>
        %max3A_121 = arith.maximumf %add3A_117, %mul3A_120 : vector<16xf32>
        %swap3A_122 = arith.index_cast %scan3A_75 : i32 to index
        %swap3A_123 = arith.constant 32 : index
        %swap3A_124 = tpu.vector_load %arg9[%swap3A_122, %swap3A_123] {strides = array<i32>} : memref<128x128xf32, #tpu.memory_space<vmem>>, vector<1x16xf32>,
        %swap3A_125 = vector.shape_cast %swap3A_124 : vector<1x16xf32> to vector<16xf32>
        %swap3A_126 = vector.shape_cast %max3A_121 : vector<16xf32> to vector<1x16xf32>
        tpu.vector_store %arg9[%swap3A_122, %swap3A_123], %swap3A_126 {strides = array<i32>} : memref<128x128xf32, #tpu.memory_space<vmem>>, vector<1x16xf32>,
        %get3A_127 = arith.index_cast %scan3A_75 : i32 to index
        %get3A_128 = arith.constant 48 : index
        %get3A_129 = tpu.vector_load %arg9[%get3A_127, %get3A_128] {strides = array<i32>} : memref<128x128xf32, #tpu.memory_space<vmem>>, vector<1x16xf32>,
        %get3A_130 = vector.shape_cast %get3A_129 : vector<1x16xf32> to vector<16xf32>
        %get3A_131 = arith.index_cast %scan3A_75 : i32 to index
        %get3A_132 = arith.constant 48 : index
        %get3A_133 = tpu.vector_load %arg10[%get3A_131, %get3A_132] {strides = array<i32>} : memref<128x128xf32, #tpu.memory_space<vmem>>, vector<1x16xf32>,
        %get3A_134 = vector.shape_cast %get3A_133 : vector<1x16xf32> to vector<16xf32>
        %add3A_135 = arith.addf %get3A_130, %get3A_134 : vector<16xf32>
        %mul3A_136 = arith.constant 0.00999999977 : f32
        %mul3A_137 = vector.broadcast %mul3A_136 : f32 to vector<16xf32>
        %mul3A_138 = arith.mulf %mul3A_137, %add3A_135 : vector<16xf32>
        %max3A_139 = arith.maximumf %add3A_135, %mul3A_138 : vector<16xf32>
        %swap3A_140 = arith.index_cast %scan3A_75 : i32 to index
        %swap3A_141 = arith.constant 48 : index
        %swap3A_142 = tpu.vector_load %arg9[%swap3A_140, %swap3A_141] {strides = array<i32>} : memref<128x128xf32, #tpu.memory_space<vmem>>, vector<1x16xf32>,
        %swap3A_143 = vector.shape_cast %swap3A_142 : vector<1x16xf32> to vector<16xf32>
        %swap3A_144 = vector.shape_cast %max3A_139 : vector<16xf32> to vector<1x16xf32>
        tpu.vector_store %arg9[%swap3A_140, %swap3A_141], %swap3A_144 {strides = array<i32>} : memref<128x128xf32, #tpu.memory_space<vmem>>, vector<1x16xf32>,
        %get3A_145 = arith.index_cast %scan3A_75 : i32 to index
        %get3A_146 = arith.constant 64 : index
        %get3A_147 = tpu.vector_load %arg9[%get3A_145, %get3A_146] {strides = array<i32>} : memref<128x128xf32, #tpu.memory_space<vmem>>, vector<1x16xf32>,
        %get3A_148 = vector.shape_cast %get3A_147 : vector<1x16xf32> to vector<16xf32>
        %get3A_149 = arith.index_cast %scan3A_75 : i32 to index
        %get3A_150 = arith.constant 64 : index
        %get3A_151 = tpu.vector_load %arg10[%get3A_149, %get3A_150] {strides = array<i32>} : memref<128x128xf32, #tpu.memory_space<vmem>>, vector<1x16xf32>,
        %get3A_152 = vector.shape_cast %get3A_151 : vector<1x16xf32> to vector<16xf32>
        %add3A_153 = arith.addf %get3A_148, %get3A_152 : vector<16xf32>
        %mul3A_154 = arith.constant 0.00999999977 : f32
        %mul3A_155 = vector.broadcast %mul3A_154 : f32 to vector<16xf32>
        %mul3A_156 = arith.mulf %mul3A_155, %add3A_153 : vector<16xf32>
        %max3A_157 = arith.maximumf %add3A_153, %mul3A_156 : vector<16xf32>
        %swap3A_158 = arith.index_cast %scan3A_75 : i32 to index
        %swap3A_159 = arith.constant 64 : index
        %swap3A_160 = tpu.vector_load %arg9[%swap3A_158, %swap3A_159] {strides = array<i32>} : memref<128x128xf32, #tpu.memory_space<vmem>>, vector<1x16xf32>,
        %swap3A_161 = vector.shape_cast %swap3A_160 : vector<1x16xf32> to vector<16xf32>
        %swap3A_162 = vector.shape_cast %max3A_157 : vector<16xf32> to vector<1x16xf32>
        tpu.vector_store %arg9[%swap3A_158, %swap3A_159], %swap3A_162 {strides = array<i32>} : memref<128x128xf32, #tpu.memory_space<vmem>>, vector<1x16xf32>,
        %get3A_163 = arith.index_cast %scan3A_75 : i32 to index
        %get3A_164 = arith.constant 80 : index
        %get3A_165 = tpu.vector_load %arg9[%get3A_163, %get3A_164] {strides = array<i32>} : memref<128x128xf32, #tpu.memory_space<vmem>>, vector<1x16xf32>,
        %get3A_166 = vector.shape_cast %get3A_165 : vector<1x16xf32> to vector<16xf32>
        %get3A_167 = arith.index_cast %scan3A_75 : i32 to index
        %get3A_168 = arith.constant 80 : index
        %get3A_169 = tpu.vector_load %arg10[%get3A_167, %get3A_168] {strides = array<i32>} : memref<128x128xf32, #tpu.memory_space<vmem>>, vector<1x16xf32>,
        %get3A_170 = vector.shape_cast %get3A_169 : vector<1x16xf32> to vector<16xf32>
        %add3A_171 = arith.addf %get3A_166, %get3A_170 : vector<16xf32>
        %mul3A_172 = arith.constant 0.00999999977 : f32
        %mul3A_173 = vector.broadcast %mul3A_172 : f32 to vector<16xf32>
        %mul3A_174 = arith.mulf %mul3A_173, %add3A_171 : vector<16xf32>
        %max3A_175 = arith.maximumf %add3A_171, %mul3A_174 : vector<16xf32>
        %swap3A_176 = arith.index_cast %scan3A_75 : i32 to index
        %swap3A_177 = arith.constant 80 : index
        %swap3A_178 = tpu.vector_load %arg9[%swap3A_176, %swap3A_177] {strides = array<i32>} : memref<128x128xf32, #tpu.memory_space<vmem>>, vector<1x16xf32>,
        %swap3A_179 = vector.shape_cast %swap3A_178 : vector<1x16xf32> to vector<16xf32>
        %swap3A_180 = vector.shape_cast %max3A_175 : vector<16xf32> to vector<1x16xf32>
        tpu.vector_store %arg9[%swap3A_176, %swap3A_177], %swap3A_180 {strides = array<i32>} : memref<128x128xf32, #tpu.memory_space<vmem>>, vector<1x16xf32>,
        %get3A_181 = arith.index_cast %scan3A_75 : i32 to index
        %get3A_182 = arith.constant 96 : index
        %get3A_183 = tpu.vector_load %arg9[%get3A_181, %get3A_182] {strides = array<i32>} : memref<128x128xf32, #tpu.memory_space<vmem>>, vector<1x16xf32>,
        %get3A_184 = vector.shape_cast %get3A_183 : vector<1x16xf32> to vector<16xf32>
        %get3A_185 = arith.index_cast %scan3A_75 : i32 to index
        %get3A_186 = arith.constant 96 : index
        %get3A_187 = tpu.vector_load %arg10[%get3A_185, %get3A_186] {strides = array<i32>} : memref<128x128xf32, #tpu.memory_space<vmem>>, vector<1x16xf32>,
        %get3A_188 = vector.shape_cast %get3A_187 : vector<1x16xf32> to vector<16xf32>
        %add3A_189 = arith.addf %get3A_184, %get3A_188 : vector<16xf32>
        %mul3A_190 = arith.constant 0.00999999977 : f32
        %mul3A_191 = vector.broadcast %mul3A_190 : f32 to vector<16xf32>
        %mul3A_192 = arith.mulf %mul3A_191, %add3A_189 : vector<16xf32>
        %max3A_193 = arith.maximumf %add3A_189, %mul3A_192 : vector<16xf32>
        %swap3A_194 = arith.index_cast %scan3A_75 : i32 to index
        %swap3A_195 = arith.constant 96 : index
        %swap3A_196 = tpu.vector_load %arg9[%swap3A_194, %swap3A_195] {strides = array<i32>} : memref<128x128xf32, #tpu.memory_space<vmem>>, vector<1x16xf32>,
        %swap3A_197 = vector.shape_cast %swap3A_196 : vector<1x16xf32> to vector<16xf32>
        %swap3A_198 = vector.shape_cast %max3A_193 : vector<16xf32> to vector<1x16xf32>
        tpu.vector_store %arg9[%swap3A_194, %swap3A_195], %swap3A_198 {strides = array<i32>} : memref<128x128xf32, #tpu.memory_space<vmem>>, vector<1x16xf32>,
        %get3A_199 = arith.index_cast %scan3A_75 : i32 to index
        %get3A_200 = arith.constant 112 : index
        %get3A_201 = tpu.vector_load %arg9[%get3A_199, %get3A_200] {strides = array<i32>} : memref<128x128xf32, #tpu.memory_space<vmem>>, vector<1x16xf32>,
        %get3A_202 = vector.shape_cast %get3A_201 : vector<1x16xf32> to vector<16xf32>
        %get3A_203 = arith.index_cast %scan3A_75 : i32 to index
        %get3A_204 = arith.constant 112 : index
        %get3A_205 = tpu.vector_load %arg10[%get3A_203, %get3A_204] {strides = array<i32>} : memref<128x128xf32, #tpu.memory_space<vmem>>, vector<1x16xf32>,
        %get3A_206 = vector.shape_cast %get3A_205 : vector<1x16xf32> to vector<16xf32>
        %add3A_207 = arith.addf %get3A_202, %get3A_206 : vector<16xf32>
        %mul3A_208 = arith.constant 0.00999999977 : f32
        %mul3A_209 = vector.broadcast %mul3A_208 : f32 to vector<16xf32>
        %mul3A_210 = arith.mulf %mul3A_209, %add3A_207 : vector<16xf32>
        %max3A_211 = arith.maximumf %add3A_207, %mul3A_210 : vector<16xf32>
        %swap3A_212 = arith.index_cast %scan3A_75 : i32 to index
        %swap3A_213 = arith.constant 112 : index
        %swap3A_214 = tpu.vector_load %arg9[%swap3A_212, %swap3A_213] {strides = array<i32>} : memref<128x128xf32, #tpu.memory_space<vmem>>, vector<1x16xf32>,
        %swap3A_215 = vector.shape_cast %swap3A_214 : vector<1x16xf32> to vector<16xf32>
        %swap3A_216 = vector.shape_cast %max3A_211 : vector<16xf32> to vector<1x16xf32>
        tpu.vector_store %arg9[%swap3A_212, %swap3A_213], %swap3A_216 {strides = array<i32>} : memref<128x128xf32, #tpu.memory_space<vmem>>, vector<1x16xf32>,
      }
      %scan3A_74 = arith.constant 128 : i32
      "tpu.region"() ({
        %run_scoped3A = tpu.sem_alloc : memref<!tpu.dma_semaphore, #tpu.memory_space<semaphore_mem>>
        %dma_start3A_75 = arith.constant 0 : i32
        %dma_start3A_76 = arith.constant 0 : i32
        %dma_start3A_77 = tpu.memref_slice %arg11[%dma_start3A_75, %dma_start3A_76] : memref<10000x128xf32, #tpu.memory_space<vmem_shared>> -> memref<10000x128xf32, #tpu.memory_space<vmem_shared>>
        tpu.enqueue_indirect_dma source(%arg9 : memref<128x128xf32, #tpu.memory_space<vmem>>) target(%dma_start3A_77 : memref<10000x128xf32, #tpu.memory_space<vmem_shared>>) offsets(%arg8 : memref<128xi32, #tpu.memory_space<vmem>>) semaphore(%run_scoped3A : memref<!tpu.dma_semaphore, #tpu.memory_space<semaphore_mem>>) {add = true}
        %dma_wait3A_78 = arith.constant 0 : i32
        %dma_wait3A_79 = arith.constant 0 : i32
        %dma_wait3A_80 = tpu.memref_slice %arg11[%dma_wait3A_78, %dma_wait3A_79] : memref<10000x128xf32, #tpu.memory_space<vmem_shared>> -> memref<10000x128xf32, #tpu.memory_space<vmem_shared>>
        tpu.wait_indirect_dma semaphore(%run_scoped3A : memref<!tpu.dma_semaphore, #tpu.memory_space<semaphore_mem>>) src(%arg9 : memref<128x128xf32, #tpu.memory_space<vmem>>) dst(%dma_wait3A_80 : memref<10000x128xf32, #tpu.memory_space<vmem_shared>>)
        tpu.yield
      }) : () -> ()
    }
    %barrier3A_46 = arith.constant 0 : index
    tpu.barrier barrier_id(%barrier3A_46)
    %mul3A_47 = arith.constant 624 : i32
    %mul3A_48 = arith.muli %arg1, %mul3A_47 : i32
    %mul3A_49 = arith.constant 10000 : i32
    %mul3A_50 = arith.muli %arg0, %mul3A_49 : i32
    %mul3A_51 = arith.constant 624 : i32
    %mul3A_52 = arith.muli %arg1, %mul3A_51 : i32
    %add3A_53 = arith.addi %mul3A_50, %mul3A_52 : i32
    "tpu.region"() ({
      %run_scoped3A = tpu.sem_alloc : memref<!tpu.dma_semaphore, #tpu.memory_space<semaphore_mem>>
      %dma_start3A = arith.constant 0 : i32
      %dma_start3A_59 = tpu.memref_slice %arg6[%add3A_53, %dma_start3A] : memref<20000x128xf32, #tpu.memory_space<hbm>> -> memref<624x128xf32, #tpu.memory_space<hbm>>
      %dma_start3A_60 = arith.constant 0 : i32
      %dma_start3A_61 = tpu.memref_slice %arg11[%mul3A_48, %dma_start3A_60] : memref<10000x128xf32, #tpu.memory_space<vmem_shared>> -> memref<624x128xf32, #tpu.memory_space<vmem_shared>>
      tpu.enqueue_dma source(%dma_start3A_61 : memref<624x128xf32, #tpu.memory_space<vmem_shared>>) target(%dma_start3A_59 : memref<624x128xf32, #tpu.memory_space<hbm>>) target_semaphore(%run_scoped3A : memref<!tpu.dma_semaphore, #tpu.memory_space<semaphore_mem>>)
      %dma_wait3A = arith.constant 0 : i32
      %dma_wait3A_62 = tpu.memref_slice %arg6[%add3A_53, %dma_wait3A] : memref<20000x128xf32, #tpu.memory_space<hbm>> -> memref<624x128xf32, #tpu.memory_space<hbm>>
      %dma_wait3A_63 = arith.constant 0 : i32
      %dma_wait3A_64 = tpu.memref_slice %arg11[%mul3A_48, %dma_wait3A_63] : memref<10000x128xf32, #tpu.memory_space<vmem_shared>> -> memref<624x128xf32, #tpu.memory_space<vmem_shared>>
      tpu.wait_dma2 semaphore(%run_scoped3A : memref<!tpu.dma_semaphore, #tpu.memory_space<semaphore_mem>>) src(%dma_wait3A_64 : memref<624x128xf32, #tpu.memory_space<vmem_shared>>) dst(%dma_wait3A_62 : memref<624x128xf32, #tpu.memory_space<hbm>>)
      tpu.yield
    }) : () -> ()
    %eq3A_54 = arith.constant 15 : i32
    %eq3A_55 = arith.cmpi eq, %arg1, %eq3A_54 : i32
    %convert_element_type3A_56 = arith.extui %eq3A_55 : i1 to i32
    %cond3A_57 = arith.constant 0 : i32
    %cond3A_58 = arith.cmpi ne, %convert_element_type3A_56, %cond3A_57 : i32
    scf.if %cond3A_58 {
      %mul3A_59 = arith.constant 10000 : i32
      %mul3A_60 = arith.muli %arg0, %mul3A_59 : i32
      %add3A_61 = arith.constant 9984 : i32
      %add3A_62 = arith.addi %mul3A_60, %add3A_61 : i32
      "tpu.region"() ({
        %run_scoped3A = tpu.sem_alloc : memref<!tpu.dma_semaphore, #tpu.memory_space<semaphore_mem>>
        %dma_start3A = arith.constant 0 : i32
        %dma_start3A_63 = tpu.memref_slice %arg6[%add3A_62, %dma_start3A] : memref<20000x128xf32, #tpu.memory_space<hbm>> -> memref<16x128xf32, #tpu.memory_space<hbm>>
        %dma_start3A_64 = arith.constant 9984 : i32
        %dma_start3A_65 = arith.constant 0 : i32
        %dma_start3A_66 = tpu.memref_slice %arg11[%dma_start3A_64, %dma_start3A_65] : memref<10000x128xf32, #tpu.memory_space<vmem_shared>> -> memref<16x128xf32, #tpu.memory_space<vmem_shared>>
        tpu.enqueue_dma source(%dma_start3A_66 : memref<16x128xf32, #tpu.memory_space<vmem_shared>>) target(%dma_start3A_63 : memref<16x128xf32, #tpu.memory_space<hbm>>) target_semaphore(%run_scoped3A : memref<!tpu.dma_semaphore, #tpu.memory_space<semaphore_mem>>)
        %dma_wait3A = arith.constant 0 : i32
        %dma_wait3A_67 = tpu.memref_slice %arg6[%add3A_62, %dma_wait3A] : memref<20000x128xf32, #tpu.memory_space<hbm>> -> memref<16x128xf32, #tpu.memory_space<hbm>>
        %dma_wait3A_68 = arith.constant 9984 : i32
        %dma_wait3A_69 = arith.constant 0 : i32
        %dma_wait3A_70 = tpu.memref_slice %arg11[%dma_wait3A_68, %dma_wait3A_69] : memref<10000x128xf32, #tpu.memory_space<vmem_shared>> -> memref<16x128xf32, #tpu.memory_space<vmem_shared>>
        tpu.wait_dma2 semaphore(%run_scoped3A : memref<!tpu.dma_semaphore, #tpu.memory_space<semaphore_mem>>) src(%dma_wait3A_70 : memref<16x128xf32, #tpu.memory_space<vmem_shared>>) dst(%dma_wait3A_67 : memref<16x128xf32, #tpu.memory_space<hbm>>)
        tpu.yield
      }) : () -> ()
    } else {
    }
    return
  }
}

module attributes {stable_mosaic.version = 14 : i64} {
  func.func @_h2_body(%arg0: memref<10000x128xf32, #tpu.memory_space<vmem>>, %arg1: memref<128x128xf32, #tpu.memory_space<vmem>>, %arg2: memref<1x128xf32, #tpu.memory_space<vmem>>, %arg3: memref<128x128xf32, #tpu.memory_space<vmem>>, %arg4: memref<10000x128xf32, #tpu.memory_space<vmem>>) attributes {dimension_semantics = [], scalar_prefetch = 0 : i64, scratch_operands = 0 : i64, tpu.core_type = #tpu.core_type<tc>} {
    %get3A = arith.constant 0 : index
    %get3A_0 = arith.constant 0 : index
    %get3A_1 = vector.load %arg1[%get3A, %get3A_0] : memref<128x128xf32, #tpu.memory_space<vmem>>, vector<128x128xf32>
    %get3A_2 = arith.constant 0 : index
    %get3A_3 = arith.constant 0 : index
    %get3A_4 = vector.load %arg3[%get3A_2, %get3A_3] : memref<128x128xf32, #tpu.memory_space<vmem>>, vector<128x128xf32>
    %dot_general3A = arith.constant dense<0.000000e+00> : vector<128x128xf32>
    %dot_general3A_5 = tpu.matmul %get3A_1, %get3A_4, %dot_general3A {dimension_numbers = #tpu.dot_dimension_numbers<[1], [0], [0], [1], [0, 0, 1, 1], [], []>, transpose_lhs_hint = false} : vector<128x128xf32>, vector<128x128xf32>, vector<128x128xf32> -> vector<128x128xf32>
    %get3A_6 = arith.constant 0 : index
    %get3A_7 = arith.constant 0 : index
    %get3A_8 = vector.load %arg2[%get3A_6, %get3A_7] : memref<1x128xf32, #tpu.memory_space<vmem>>, vector<1x128xf32>
    %get3A_9 = arith.constant 0 : index
    %get3A_10 = arith.constant 0 : index
    %get3A_11 = vector.load %arg3[%get3A_9, %get3A_10] : memref<128x128xf32, #tpu.memory_space<vmem>>, vector<128x128xf32>
    %dot_general3A_12 = arith.constant dense<0.000000e+00> : vector<1x128xf32>
    %dot_general3A_13 = tpu.matmul %get3A_8, %get3A_11, %dot_general3A_12 {dimension_numbers = #tpu.dot_dimension_numbers<[1], [0], [0], [1], [0, 0, 1, 1], [], []>, transpose_lhs_hint = false} : vector<1x128xf32>, vector<128x128xf32>, vector<1x128xf32> -> vector<1x128xf32>
    %get3A_14 = arith.constant 0 : index
    %get3A_15 = arith.constant 0 : index
    %get3A_16 = vector.load %arg0[%get3A_14, %get3A_15] : memref<10000x128xf32, #tpu.memory_space<vmem>>, vector<10000x128xf32>
    %dot_general3A_17 = arith.constant dense<0.000000e+00> : vector<10000x128xf32>
    %dot_general3A_18 = tpu.matmul %get3A_16, %dot_general3A_5, %dot_general3A_17 {dimension_numbers = #tpu.dot_dimension_numbers<[1], [0], [0], [1], [0, 0, 1, 1], [], []>, transpose_lhs_hint = false} : vector<10000x128xf32>, vector<128x128xf32>, vector<10000x128xf32> -> vector<10000x128xf32>
    %add3A = vector.broadcast %dot_general3A_13 : vector<1x128xf32> to vector<10000x128xf32>
    %add3A_19 = arith.addf %dot_general3A_18, %add3A : vector<10000x128xf32>
    %swap3A = arith.constant 0 : index
    %swap3A_20 = arith.constant 0 : index
    %swap3A_21 = vector.load %arg4[%swap3A, %swap3A_20] : memref<10000x128xf32, #tpu.memory_space<vmem>>, vector<10000x128xf32>
    tpu.vector_store %arg4[%swap3A, %swap3A_20], %add3A_19 {strides = array<i32>} : memref<10000x128xf32, #tpu.memory_space<vmem>>, vector<10000x128xf32>,
    return
  }
}

module attributes {stable_mosaic.version = 14 : i64} {
  func.func @_ec_body(%arg0: i32, %arg1: memref<4000x16xf32, #tpu.memory_space<vmem>>, %arg2: memref<16x128xf32, #tpu.memory_space<vmem>>, %arg3: memref<1x128xf32, #tpu.memory_space<vmem>>, %arg4: memref<128x128xf32, #tpu.memory_space<vmem>>, %arg5: memref<1x128xf32, #tpu.memory_space<vmem>>, %arg6: memref<4000x128xf32, #tpu.memory_space<vmem>>) attributes {dimension_semantics = [#tpu.dimension_semantics<arbitrary>], iteration_bounds = array<i64: 80>, scalar_prefetch = 0 : i64, scratch_operands = 0 : i64, tpu.core_type = #tpu.core_type<tc>, window_params = [{transform_indices = @transform_0, window_bounds = array<i64: 4000, 16>}, {pipeline_mode = #tpu.pipeline_mode<synchronous>, transform_indices = @transform_1, window_bounds = array<i64: 16, 128>}, {pipeline_mode = #tpu.pipeline_mode<synchronous>, transform_indices = @transform_2, window_bounds = array<i64: 1, 128>}, {pipeline_mode = #tpu.pipeline_mode<synchronous>, transform_indices = @transform_3, window_bounds = array<i64: 128, 128>}, {pipeline_mode = #tpu.pipeline_mode<synchronous>, transform_indices = @transform_4, window_bounds = array<i64: 1, 128>}, {transform_indices = @transform_5, window_bounds = array<i64: 4000, 128>}]} {
    %get3A = arith.constant 0 : index
    %get3A_0 = arith.constant 0 : index
    %get3A_1 = vector.load %arg2[%get3A, %get3A_0] : memref<16x128xf32, #tpu.memory_space<vmem>>, vector<16x128xf32>
    %get3A_2 = arith.constant 0 : index
    %get3A_3 = arith.constant 0 : index
    %get3A_4 = vector.load %arg4[%get3A_2, %get3A_3] : memref<128x128xf32, #tpu.memory_space<vmem>>, vector<128x128xf32>
    %dot_general3A = arith.constant dense<0.000000e+00> : vector<16x128xf32>
    %dot_general3A_5 = tpu.matmul %get3A_1, %get3A_4, %dot_general3A {dimension_numbers = #tpu.dot_dimension_numbers<[1], [0], [0], [1], [0, 0, 1, 1], [], []>, transpose_lhs_hint = false} : vector<16x128xf32>, vector<128x128xf32>, vector<16x128xf32> -> vector<16x128xf32>
    %get3A_6 = arith.constant 0 : index
    %get3A_7 = arith.constant 0 : index
    %get3A_8 = vector.load %arg3[%get3A_6, %get3A_7] : memref<1x128xf32, #tpu.memory_space<vmem>>, vector<1x128xf32>
    %get3A_9 = arith.constant 0 : index
    %get3A_10 = arith.constant 0 : index
    %get3A_11 = vector.load %arg4[%get3A_9, %get3A_10] : memref<128x128xf32, #tpu.memory_space<vmem>>, vector<128x128xf32>
    %dot_general3A_12 = arith.constant dense<0.000000e+00> : vector<1x128xf32>
    %dot_general3A_13 = tpu.matmul %get3A_8, %get3A_11, %dot_general3A_12 {dimension_numbers = #tpu.dot_dimension_numbers<[1], [0], [0], [1], [0, 0, 1, 1], [], []>, transpose_lhs_hint = false} : vector<1x128xf32>, vector<128x128xf32>, vector<1x128xf32> -> vector<1x128xf32>
    %get3A_14 = arith.constant 0 : index
    %get3A_15 = arith.constant 0 : index
    %get3A_16 = vector.load %arg5[%get3A_14, %get3A_15] : memref<1x128xf32, #tpu.memory_space<vmem>>, vector<1x128xf32>
    %add3A = arith.addf %dot_general3A_13, %get3A_16 : vector<1x128xf32>
    %get3A_17 = arith.constant 0 : index
    %get3A_18 = arith.constant 0 : index
    %get3A_19 = vector.load %arg1[%get3A_17, %get3A_18] : memref<4000x16xf32, #tpu.memory_space<vmem>>, vector<4000x16xf32>
    %dot_general3A_20 = arith.constant dense<0.000000e+00> : vector<4000x128xf32>
    %dot_general3A_21 = tpu.matmul %get3A_19, %dot_general3A_5, %dot_general3A_20 {dimension_numbers = #tpu.dot_dimension_numbers<[1], [0], [0], [1], [0, 0, 1, 1], [], []>, transpose_lhs_hint = false} : vector<4000x16xf32>, vector<16x128xf32>, vector<4000x128xf32> -> vector<4000x128xf32>
    %add3A_22 = vector.broadcast %add3A : vector<1x128xf32> to vector<4000x128xf32>
    %add3A_23 = arith.addf %dot_general3A_21, %add3A_22 : vector<4000x128xf32>
    %swap3A = arith.constant 0 : index
    %swap3A_24 = arith.constant 0 : index
    %swap3A_25 = vector.load %arg6[%swap3A, %swap3A_24] : memref<4000x128xf32, #tpu.memory_space<vmem>>, vector<4000x128xf32>
    tpu.vector_store %arg6[%swap3A, %swap3A_24], %add3A_23 {strides = array<i32>} : memref<4000x128xf32, #tpu.memory_space<vmem>>, vector<4000x128xf32>,
    return
  }
  func.func @transform_0(%arg0: i32) -> (i32, i32) {
    %c0_i32 = arith.constant 0 : i32
    %c0_i32_0 = arith.constant 0 : i32
    return %arg0, %c0_i32 : i32, i32
  }
  func.func @transform_1(%arg0: i32) -> (i32, i32) {
    %c0_i32 = arith.constant 0 : i32
    %c0_i32_0 = arith.constant 0 : i32
    %c0_i32_1 = arith.constant 0 : i32
    return %c0_i32, %c0_i32_0 : i32, i32
  }
  func.func @transform_2(%arg0: i32) -> (i32, i32) {
    %c0_i32 = arith.constant 0 : i32
    %c0_i32_0 = arith.constant 0 : i32
    %c0_i32_1 = arith.constant 0 : i32
    return %c0_i32, %c0_i32_0 : i32, i32
  }
  func.func @transform_3(%arg0: i32) -> (i32, i32) {
    %c0_i32 = arith.constant 0 : i32
    %c0_i32_0 = arith.constant 0 : i32
    %c0_i32_1 = arith.constant 0 : i32
    return %c0_i32, %c0_i32_0 : i32, i32
  }
  func.func @transform_4(%arg0: i32) -> (i32, i32) {
    %c0_i32 = arith.constant 0 : i32
    %c0_i32_0 = arith.constant 0 : i32
    %c0_i32_1 = arith.constant 0 : i32
    return %c0_i32, %c0_i32_0 : i32, i32
  }
  func.func @transform_5(%arg0: i32) -> (i32, i32) {
    %c0_i32 = arith.constant 0 : i32
    %c0_i32_0 = arith.constant 0 : i32
    return %arg0, %c0_i32 : i32, i32
  }
}

module attributes {stable_mosaic.version = 14 : i64} {
  func.func @_fin_body(%arg0: i32, %arg1: memref<1000x128xf32, #tpu.memory_space<vmem>>, %arg2: memref<1000x128xf32, #tpu.memory_space<vmem>>, %arg3: memref<1x1xf32, #tpu.memory_space<smem>>, %arg4: memref<1000x128xf32, #tpu.memory_space<vmem>>) attributes {dimension_semantics = [#tpu.dimension_semantics<arbitrary>], iteration_bounds = array<i64: 10>, scalar_prefetch = 0 : i64, scratch_operands = 0 : i64, tpu.core_type = #tpu.core_type<tc>, window_params = [{transform_indices = @transform_0, window_bounds = array<i64: 1000, 128>}, {transform_indices = @transform_1, window_bounds = array<i64: 1000, 128>}, {transform_indices = @transform_2, window_bounds = array<i64: 1, 1>}, {transform_indices = @transform_3, window_bounds = array<i64: 1000, 128>}]} {
    %get3A = arith.constant 0 : index
    %get3A_0 = arith.constant 0 : index
    %get3A_1 = vector.load %arg1[%get3A, %get3A_0] : memref<1000x128xf32, #tpu.memory_space<vmem>>, vector<1000x128xf32>
    %get3A_2 = arith.constant 0 : index
    %get3A_3 = arith.constant 0 : index
    %get3A_4 = vector.load %arg2[%get3A_2, %get3A_3] : memref<1000x128xf32, #tpu.memory_space<vmem>>, vector<1000x128xf32>
    %add3A = arith.addf %get3A_1, %get3A_4 : vector<1000x128xf32>
    %get3A_5 = arith.constant 0 : index
    %get3A_6 = arith.constant 0 : index
    %get3A_7 = memref.load %arg3[%get3A_5, %get3A_6] : memref<1x1xf32, #tpu.memory_space<smem>>
    %neg3A = arith.constant 0.000000e+00 : f32
    %neg3A_8 = vector.broadcast %neg3A : f32 to vector<1000x128xf32>
    %neg3A_9 = arith.subf %neg3A_8, %add3A : vector<1000x128xf32>
    %exp3A = math.exp %neg3A_9 : vector<1000x128xf32>
    %add3A_10 = arith.constant 1.000000e+00 : f32
    %add3A_11 = vector.broadcast %add3A_10 : f32 to vector<1000x128xf32>
    %add3A_12 = arith.addf %add3A_11, %exp3A : vector<1000x128xf32>
    %div3A = vector.broadcast %get3A_7 : f32 to vector<1000x128xf32>
    %div3A_13 = arith.divf %div3A, %add3A_12 : vector<1000x128xf32>
    %swap3A = arith.constant 0 : index
    %swap3A_14 = arith.constant 0 : index
    %swap3A_15 = vector.load %arg4[%swap3A, %swap3A_14] : memref<1000x128xf32, #tpu.memory_space<vmem>>, vector<1000x128xf32>
    tpu.vector_store %arg4[%swap3A, %swap3A_14], %div3A_13 {strides = array<i32>} : memref<1000x128xf32, #tpu.memory_space<vmem>>, vector<1000x128xf32>,
    return
  }
  func.func @transform_0(%arg0: i32) -> (i32, i32) {
    %c0_i32 = arith.constant 0 : i32
    %c0_i32_0 = arith.constant 0 : i32
    return %arg0, %c0_i32 : i32, i32
  }
  func.func @transform_1(%arg0: i32) -> (i32, i32) {
    %add3A = arith.constant 10 : i32
    %add3A_0 = arith.addi %arg0, %add3A : i32
    %c0_i32 = arith.constant 0 : i32
    %c0_i32_1 = arith.constant 0 : i32
    return %add3A_0, %c0_i32 : i32, i32
  }
  func.func @transform_2(%arg0: i32) -> (i32, i32) {
    %c0_i32 = arith.constant 0 : i32
    %c0_i32_0 = arith.constant 0 : i32
    %c0_i32_1 = arith.constant 0 : i32
    return %c0_i32, %c0_i32_0 : i32, i32
  }
  func.func @transform_3(%arg0: i32) -> (i32, i32) {
    %c0_i32 = arith.constant 0 : i32
    %c0_i32_0 = arith.constant 0 : i32
    return %arg0, %c0_i32 : i32, i32
  }
}

</mosaic_0001>

<sc_bundles>
// kernel: kernel.6.cloned.1.call-start
scs
__scs_entry_jumppad:
0x0: {  	(pc) =	sbr.rel $0x88, $3  }
0x1: {  	(tag) =	ssettag $0x0;
	lr =	simm.s32 $0x1  }
0x2: {  	[smem:$0x3F97] =	sst lr;
	_ =	strace $0xD0000000  }
0x3: {  	_ = 	snop  }
0x4: {  	_ = 	snop  }
0x5: {  	_ = 	snop  }
0x6: {  	_ = 	snop  }
0x7: {  	_ = 	snop  }
__scs_overlays_trampoline_lowered:
0x8: {  	[smem:$0x3FA6] =	sst s0  }
0x9: {  	[smem:$0x3FA7] =	sst s1  }
0xa: {  	[smem:$0x3FA8] =	sst s2  }
0xb: {  	[smem:$0x3FA9] =	sst s3  }
0xc: {  	[smem:$0x3FAA] =	sst s4  }
0xd: {  	[smem:$0x3FAB] =	sst s5  }
0xe: {  	[smem:$0x3FAC] =	sst s6  }
0xf: {  	[smem:$0x3FAD] =	sst s7  }
0x10: {  	[smem:$0x3FAE] =	sst s8  }
0x11: {  	[smem:$0x3FAF] =	sst s9;
	s0 =	simm.s32 @!p0 $0x0  }
0x12: {  	s1 =	sld [smem:$0x3F95];
	s0 =	simm.s32 @p0 $0x1  }
0x13: {  	[smem:$0x3FB0] =	sst s0;
	s0 =	simm.s32 @!p1 $0x0  }
0x14: {  	s2 =	sld [smem:$0x3F94];
	s0 =	simm.s32 @p1 $0x1  }
0x15: {  	[smem:$0x3FB1] =	sst s0;
	s0 =	simm.s32 @!p2 $0x0  }
0x16: {  	s3 =	sld [smem:$0x3FDB];
	s0 =	simm.s32 @p2 $0x1  }
0x17: {  	s4 =	simm.s32 $0x1BF5;
	[smem:$0x3FB3] =	sst s0  }
0x18: {  	s0 =	sld [smem:$0x3F96];
	_ =	swait.ge [sflag:s4], $0x0  }
0x19: {  	s7 =	sld [smem:$0x3F97]  }
0x1a: {  	s8 =	sadd.s32 $0xFFFFE003, lr  }
0x1b: {  	s9 =	sadd.s32 $0xFFFFFEF7, lr;
	s5 =	simm.s32 $0xFFFFFFFF;
	p2 =	slt.u32 s8, $0xFFFFF086  }
0x1c: {  	p1 =	slt.u32 s9, $0xF7A;
	s5 =	simm.s32 @!p2 $0x0  }
0x1d: {  	s5 =	simm.s32 @p1 $0x1;
	p0 =	seq.s32 s7, s2  }
0x1e: {  	s7 =	smul.u32 @!p0 $0xF7A, s2;
	p2 =	seq.s32 @!p0 s5, $0x0  }
0x1f: {  	s9 =	smul.u32 $0xF7A, s1;
	s8 =	simm.s32 @!p0 $0x1BF5;
	p2 =	por !p2, p0  }
0x20: {  	[sflag:s8] =	ssyncset.s32 @!p0 $0xFFFFF086;
	s6 =	sadd.s32 @!p0 s3, s7;
	s7 =	simm.s32 @!p0 $0x108  }
0x21: {  	s3 =	sadd.s32 s3, s9;
	s6 =	sadd.s32 @!p0 $0x88, s6;
	s7 =	simm.s32 @p2 $0x1082  }
0x22: {  	[simem:s7], [sflag:s8] =	dma.local @!p0 [hbm:s6], $0xF7A  }
0x23: {  	s9 =	sor.u32 $0xD0000000, s2;
	s6 =	simm.s32 $0x108;
	_ =	swait.ge @!p0 [sflag:s8], $0x0  }
0x24: {  	s3 =	sadd.s32 $0x88, s3;
	s6 =	simm.s32 @!p1 $0x1082;
	[sflag:s4] =	ssyncset.s32 $0xFFFFF086  }
0x25: {  	[simem:s6], [sflag:s4] =	dma.local [hbm:s3], $0xF7A  }
0x26: {  	[smem:$0x3F97] =	sst s1;
	(tag) =	ssettag s2;
	_ =	strace s9  }
0x27: {  	s1 =	sld [smem:$0x3FA7]  }
0x28: {  	s2 =	sld [smem:$0x3FA8]  }
0x29: {  	s4 =	sld [smem:$0x3FAA]  }
0x2a: {  	p0 =	seq.s32 s5, $0x0;
	s5 =	sld [smem:$0x3FAB]  }
0x2b: {  	s6 =	sld [smem:$0x3FAC]  }
0x2c: {  	s7 =	sld [smem:$0x3FAD]  }
0x2d: {  	s3 =	simm.s32 $0x108;
	s8 =	sld [smem:$0x3FAE]  }
0x2e: {  	s3 =	simm.s32 @!p0 $0x1082;
	s9 =	sld [smem:$0x3FAF]  }
0x2f: {  	lr =	sadd.s32 s0, s3;
	s0 =	sld [smem:$0x3FA6]  }
0x30: {  	s3 =	sld [smem:$0x3FA9]  }
0x31: {  	[smem:$0x3FB2] =	sst s10  }
0x32: {  	s10 =	sld [smem:$0x3FB0];
	_ =	sdelay $0x3  }
0x33: {  	p0 =	seq.s32 s10, $0x1;
	s10 =	sld [smem:$0x3FB2];
	_ =	sdelay $0x3  }
0x34: {  	[smem:$0x3FB2] =	sst s10  }
0x35: {  	s10 =	sld [smem:$0x3FB1];
	_ =	sdelay $0x3  }
0x36: {  	p1 =	seq.s32 s10, $0x1;
	s10 =	sld [smem:$0x3FB2];
	_ =	sdelay $0x3  }
0x37: {  	[smem:$0x3FB2] =	sst s10  }
0x38: {  	s10 =	sld [smem:$0x3FB3]  }
0x39: {  	_ = 	snop;
	(pc) =	sbr.ind lr, $3  }
0x3a: {  	_ = 	snop  }
0x3b: {  	_ = 	snop  }
0x3c: {  	p2 =	seq.s32 s10, $0x1;
	s10 =	sld [smem:$0x3FB2]  }
0x3d: {  	_ =	shalt  }
0x3e: {  	_ =	shalt  }
0x3f: {  	_ =	shalt  }
0x40: {  	_ =	shalt  }
0x41: {  	_ =	shalt  }
0x42: {  	_ =	shalt  }
0x43: {  	_ =	shalt  }
0x44: {  	_ =	shalt  }
0x45: {  	_ =	shalt  }
0x46: {  	_ =	shalt  }
0x47: {  	_ =	shalt  }
0x48: {  	_ =	shalt  }
0x49: {  	_ =	shalt  }
0x4a: {  	_ =	shalt  }
0x4b: {  	_ =	shalt  }
0x4c: {  	_ =	shalt  }
0x4d: {  	_ =	shalt  }
0x4e: {  	_ =	shalt  }
0x4f: {  	_ =	shalt  }
0x50: {  	_ =	shalt  }
0x51: {  	_ =	shalt  }
0x52: {  	_ =	shalt  }
0x53: {  	_ =	shalt  }
0x54: {  	_ =	shalt  }
0x55: {  	_ =	shalt  }
0x56: {  	_ =	shalt  }
0x57: {  	_ =	shalt  }
0x58: {  	_ =	shalt  }
0x59: {  	_ =	shalt  }
0x5a: {  	_ =	shalt  }
0x5b: {  	_ =	shalt  }
0x5c: {  	_ =	shalt  }
0x5d: {  	_ =	shalt  }
0x5e: {  	_ =	shalt  }
0x5f: {  	_ =	shalt  }
0x60: {  	_ =	shalt  }
0x61: {  	_ =	shalt  }
0x62: {  	_ =	shalt  }
0x63: {  	_ =	shalt  }
0x64: {  	_ =	shalt  }
0x65: {  	_ =	shalt  }
0x66: {  	_ =	shalt  }
0x67: {  	_ =	shalt  }
0x68: {  	_ =	shalt  }
0x69: {  	_ =	shalt  }
0x6a: {  	_ =	shalt  }
0x6b: {  	_ =	shalt  }
0x6c: {  	_ =	shalt  }
0x6d: {  	_ =	shalt  }
0x6e: {  	_ =	shalt  }
0x6f: {  	_ =	shalt  }
0x70: {  	_ =	shalt  }
0x71: {  	_ =	shalt  }
0x72: {  	_ =	shalt  }
0x73: {  	_ =	shalt  }
0x74: {  	_ =	shalt  }
0x75: {  	_ =	shalt  }
0x76: {  	_ =	shalt  }
0x77: {  	_ =	shalt  }
0x78: {  	_ =	shalt  }
0x79: {  	_ =	shalt  }
0x7a: {  	_ =	shalt  }
0x7b: {  	_ =	shalt  }
0x7c: {  	_ =	shalt  }
0x7d: {  	_ =	shalt  }
0x7e: {  	_ =	shalt  }
0x7f: {  	_ =	shalt  }
0x80: {  	_ =	shalt  }
0x81: {  	_ =	shalt  }
0x82: {  	_ =	shalt  }
0x83: {  	_ =	shalt  }
0x84: {  	_ =	shalt  }
0x85: {  	_ =	shalt  }
0x86: {  	_ =	shalt  }
0x87: {  	_ =	shalt  }
.Lfunc_end0:
.L_simem_size_0:
called_computation_lowered:
.L_overlay_start_0:
0x88: {  	s2 =	sld [smem:$0x3FD9]  }
0x89: {  	s3 =	sld [smem:$0x3FFE];
	_ =	sdelay $0x1  }
0x8a: {  	s1 =	srdreg.scid  }
0x8b: {  	s0 =	sand.u32 $0x1, s1  }
0x8c: {  	s17 =	sshll.u32 s0, $0xA;
	s2 =	sadd.s32 s3, s2  }
0x8d: {  	s2 =	sadd.s32 s2, s17  }
0x8e: {  	[smem:$0x3FBE] =	sst s2  }
0x8f: {  	_ = 	snop  }
0x90: {  	s2 =	sld [smem:$0x3FD0];
	(tm) =	ssettm $0x1  }
0x91: {  	s18 =	sld [smem:$0x3FFB];
	_ =	sdelay $0x3  }
0x92: {  	_ =	strace s18  }
0x93: {  	s3 =	sld [smem:$0x3FFC];
	_ =	sdelay $0x3  }
0x94: {  	_ =	strace s3  }
0x95: {  	s3 =	sld [smem:$0x3FFD];
	_ =	sdelay $0x3  }
0x96: {  	_ =	strace s3  }
0x97: {  	_ =	strace $0x8FFFFFFF  }
0x98: {  	s19 =	sld [smem:$0x3FDB];
	_ =	sdelay $0x1  }
0x99: {  	s4 =	simm.s32 $_scs_section_size  }
0x9a: {  	s5 =	simm.s32 $_size__tile_overlayer_lowered;
	s6 =	simm.s32 $_tile_overlayer_lowered  }
0x9b: {  	s22 =	simm.s32 $0x1BFF;
	s21 =	sshll.u32 s6, $0x1;
	s3 =	sadd.s32 s4, s19  }
0x9c: {  	s7 =	simm.s32 $0x0;
	s20 =	sshll.u32 s5, $0x1;
	s5 =	sadd.s32 s21, s3  }
0x9d: {  	[timem:s7], [sflag:s22] =	dma.local [hbm:s5], s20  }
0x9e: {  	_ =	swait.ge [sflag:s22], s20  }
0x9f: {  	s4 =	ssub.s32 $0x0, s20;
	[sflag:s22] =	ssyncset.done $0x0  }
0xa0: {  	[sflag:s22] =	ssyncadd.s32 s4;
	_ =	sdelay $0x1  }
0xa1: {  	s23 =	simm.s32 $0x1B8B  }
0xa2: {  	_ =	swait.ge [sflag:s23], $0x1  }
0xa3: {  	[sflag:s23] =	ssyncset.done $0x0  }
0xa4: {  	s25 =	simm.s32 $0x1B8E;
	s24 =	sld [smem:$0x3FFE];
	[sflag:s23] =	ssyncadd.s32 $0xFFFFFFFF  }
0xa5: {  	s26 =	simm.s32 $execute0_lowered;
	[smem:$0x3FD2] =	sst s25  }
0xa6: {  	s5 =	sshll.u32 s26, $0x1;
	_ =	strace $0x80000046;
	[dreg:$0x1] =	wrdreg $0xFFFFFFFF  }
0xa7: {  	s28 =	simm.s32 $_size_execute0_lowered;
	s3 =	sadd.s32 s3, s5;
	[dreg:$0x0] =	wrdreg $0x0  }
0xa8: {  	s5 =	sshll.u32 s28, $0x1;
	[dreg:$0x2] =	wrdreg s3  }
0xa9: {  	[dreg:$0x3] =	wrdreg s5  }
0xaa: {  	[dreg:$0x4] =	wrdreg $0xC0  }
0xab: {  	_ =	task [dreg:s7], $0x5FFFF  }
0xac: {  	[dreg:$0x1] =	wrdreg $0xFFFFFFFF  }
0xad: {  	[dreg:$0x0] =	wrdreg $0x60  }
0xae: {  	[dreg:$0x2] =	wrdreg s2  }
0xaf: {  	[dreg:$0x3] =	wrdreg s24  }
0xb0: {  	[dreg:$0x4] =	wrdreg $0x81000  }
0xb1: {  	[dreg:$0x5] =	wrdreg $0x9  }
0xb2: {  	_ =	task.clear_ibuf [dreg:s7], $0x6FFFF;
	_ =	strace $0x90000046  }
0xb3: {  	s29 =	simm.s32 $0x9;
	_ =	strace $0x80000048  }
0xb4: {  	_ =	swait.ge [sflag:s29], $0x1  }
0xb5: {  	[sflag:s29] =	ssyncadd.s32 $0xFFFFFFFF  }
0xb6: {  	_ =	strace $0x90000048  }
0xb7: {  	_ =	sfence  }
0xb8: {  	s30 =	sld [smem:$0x0];
	_ =	sdelay $0x2  }
0xb9: {  	s31 =	sshll.u32 s1, $0xD;
	s1 =	sshrl.u32 s1, $0x2  }
0xba: {  	s3 =	sand.u32 $0x4000, s31;
	s1 =	sadd.s32 s1, s30  }
0xbb: {  	s0 =	sor.u32 s3, s0;
	s1 =	sshll.u32 s1, $0x11  }
0xbc: {  	s0 =	sor.u32 s1, s0  }
0xbd: {  	s0 =	sadd.s32 $0x8F2B, s0  }
0xbe: {  	[sflag:s0] =	ssyncadd.remote.s32 $0x1  }
0xbf: {  	_ =	sfence.sel $0xFFFF  }
0xc0: {  	[dreg:$0x0] =	wrdreg $0xFFFFFFFF;
	(pc) =	sbr.abs _section_cstart, $3  }
0xc1: {  	[dreg:$0x1] =	wrdreg $0xFFFFFFFF  }
0xc2: {  	_ =	task.clear_ibuf [dreg:s7], $0x2FFFF;
	_ =	strace $0x9FFFFFFF  }
0xc3: {  	(tm) =	ssettm $0x7FFFFFFF  }
tec
execute0_lowered:
.L_overlay_start_1:
0x0: {  	(tag) =	ssettag $0x1  }
0x1: {  	s1 =	rddreg [dreg:$0x0]  }
0x2: {  	s8 =	rddreg [dreg:$0x1]  }
0x3: {  	s2 =	rddreg [dreg:$0x2]  }
0x4: {  	s0 =	rddreg [dreg:$0x3];
	s4 =	simm.s32 $0x0  }
0x5: {  	s5 =	srdreg.scid;
	s3 =	stileid.u32;
	s14 =	simm.s32 $0x4F  }
0x6: {  	s23 =	simm.s32 $0x100;
	s24 =	simm.s32 $0x1;
	[smem:$0x7FF] =	sst s4  }
0x7: {  	s16 =	sand.u32 $0x1, s5;
	s5 =	sadd.s32 $0x4ED400, s8;
	s6 =	sadd.s32 $0x4E3600, s8  }
0x8: {  	s9 =	smul.u32 $0x4E000, s3;
	s7 =	sadd.s32 $0x4F7200, s8;
	s17 =	sadd.s32 $0x1600, s8  }
0x9: {  	s18 =	smul.u32 $0x2700, s3;
	p0 =	slt.u32 s3, $0x2;
	s15 =	sadd.s32 $0x138000, s2  }
0xa: {  	s22 =	sshll.u32 s3, $0x8;
	_ =	strace $0x80000047;
	s20 =	smul.u32 $0x138800, s16  }
0xb: {  	s10 =	ssub.s32 $0x2, s16;
	s14 =	simm.s32 @!p0 $0x4E;
	s21 =	smul.u32 $0x27100, s16  }
0xc: {  	s16 =	sshll.u32 s16, $0x7;
	p0 =	sne.s32 s3, $0xF;
	s11 =	sshrl.u32 s10, $0x1  }
0xd: {  	s9 =	sshrl.u32 s9, $0x2;
	s16 =	sor.u32 s16, s22;
	s22 =	simm.s32 $0x80  }
0xe: {  	s19 =	ssub.s32 s10, s11;
	s8 =	sadd.s32 s9, s2;
	s20 =	sshrl.u32 s20, $0x3  }
0xf: {  	s18 =	sadd.s32 s18, s21;
	s21 =	simm.s32 $0x2;
	s9 =	sadd.s32 $0x3400, s8  }
0x10: {  	s10 =	sadd.s32 $0x6800, s8;
	s11 =	sadd.s32 $0x9C00, s8;
	s12 =	sadd.s32 $0xD000, s8  }
0x11: {  	s13 =	sadd.s32 $0x10400, s8;
	s20 =	sadd.s32 s17, s20;
	s17 =	sadd.s32 s17, s18  }
0x12: {  	v0 =	vimm.f32 $0.0e+00;
	s19 =	smax.u32 s19, $0x1;
	s18 =	sadd.s32 $0x27000, s20;
	s20 =	simm.s32 $0x4100  }
.LBB2_1:
0x13: {  	s25 =	simm.s32 $0x0;
	s26 =	simm.s32 $0x200  }
.LBB2_2:
0x14: {  	p1 =	sne.s32 s26, $0xFE00;
	[tilespmem:s25+$0x4170] =	vst v0  }
0x15: {  	[tilespmem:s25+$0x4100] =	vst v0  }
0x16: {  	[tilespmem:s25+$0x4110] =	vst v0  }
.Ltmp0:
0x17: {  	[tilespmem:s25+$0x4120] =	vst v0;
	(pc) =	sbr.rel @p1 .LBB2_2-.Ltmp0, $4  }
0x18: {  	[tilespmem:s25+$0x4130] =	vst v0  }
0x19: {  	[tilespmem:s25+$0x4140] =	vst v0  }
0x1a: {  	[tilespmem:s25+$0x4150] =	vst v0  }
0x1b: {  	[tilespmem:s25+$0x4160] =	vst v0;
	s25 =	sshra.s32 s26, $0x2;
	s26 =	sadd.s32 $0x200, s26  }
0x1c: {  	[tilespmem:s25+$0x4170] =	vst v0  }
0x1d: {  	[tilespmem:s25+$0x4100] =	vst v0  }
0x1e: {  	[tilespmem:s25+$0x4110] =	vst v0  }
0x1f: {  	[tilespmem:s25+$0x4120] =	vst v0  }
0x20: {  	[tilespmem:s25+$0x4130] =	vst v0  }
0x21: {  	[tilespmem:s25+$0x4140] =	vst v0  }
0x22: {  	[tilespmem:s25+$0x4150] =	vst v0  }
0x23: {  	[tilespmem:s25+$0x4160] =	vst v0  }
0x24: {  	[spmem:s8] =	stream.linear.scatter [tilespmem:s20], [sflag:$0x2], $0x3400, $0x38;
	[tilespmem:$0x1B980] =	vst v63  }
0x25: {  	_ =	swait.ge [sflag:s21], $0x3400  }
0x26: {  	[sflag:s21] =	ssyncset.done $0x0  }
0x27: {  	[sflag:s21] =	ssyncadd.s32 $0xFFFFCC00  }
0x28: {  	[spmem:s9] =	stream.linear.scatter [tilespmem:s20], [sflag:$0x2], $0x3400, $0x38;
	[tilespmem:$0x1B980] =	vst v63  }
0x29: {  	_ =	swait.ge [sflag:s21], $0x3400  }
0x2a: {  	[sflag:s21] =	ssyncset.done $0x0  }
0x2b: {  	[sflag:s21] =	ssyncadd.s32 $0xFFFFCC00  }
0x2c: {  	[spmem:s10] =	stream.linear.scatter [tilespmem:s20], [sflag:$0x2], $0x3400, $0x38;
	[tilespmem:$0x1B980] =	vst v63  }
0x2d: {  	_ =	swait.ge [sflag:s21], $0x3400  }
0x2e: {  	[sflag:s21] =	ssyncset.done $0x0  }
0x2f: {  	[sflag:s21] =	ssyncadd.s32 $0xFFFFCC00  }
0x30: {  	[spmem:s11] =	stream.linear.scatter [tilespmem:s20], [sflag:$0x2], $0x3400, $0x38;
	[tilespmem:$0x1B980] =	vst v63  }
0x31: {  	_ =	swait.ge [sflag:s21], $0x3400  }
0x32: {  	[sflag:s21] =	ssyncset.done $0x0  }
0x33: {  	[sflag:s21] =	ssyncadd.s32 $0xFFFFCC00  }
0x34: {  	[spmem:s12] =	stream.linear.scatter [tilespmem:s20], [sflag:$0x2], $0x3400, $0x38;
	[tilespmem:$0x1B980] =	vst v63  }
0x35: {  	_ =	swait.ge [sflag:s21], $0x3400  }
0x36: {  	[sflag:s21] =	ssyncset.done $0x0  }
0x37: {  	[sflag:s21] =	ssyncadd.s32 $0xFFFFCC00  }
0x38: {  	[spmem:s13] =	stream.linear.scatter [tilespmem:s20], [sflag:$0x2], $0x3400, $0x38;
	[tilespmem:$0x1B980] =	vst v63  }
0x39: {  	_ =	swait.ge [sflag:s21], $0x3400  }
0x3a: {  	[sflag:s21] =	ssyncset.done $0x0  }
0x3b: {  	s25 =	simm.s32 @!p0 $0x4100;
	[sflag:s21] =	ssyncadd.s32 $0xFFFFCC00  }
0x3c: {  	[spmem:s15] =	stream.linear.scatter @!p0 [tilespmem:s25], [sflag:$0x2], $0x800, $0x38;
	[tilespmem:$0x1B980] =	vst v63  }
0x3d: {  	s25 =	simm.s32 @!p0 $0x2  }
0x3e: {  	_ =	swait.ge @!p0 [sflag:s25], $0x800  }
0x3f: {  	[sflag:s25] =	ssyncset.done @!p0 $0x0  }
0x40: {  	[sflag:s25] =	ssyncadd.s32 @!p0 $0xFFFFF800  }
0x41: {  	s26 =	simm.s32 $0x0;
	s25 =	simm.s32 $0x0;
	[bflag:$0x0] =	sbarrier.arrive $0xFFFF  }
.LBB2_4:
0x42: {  	s28 =	sshll.u32 s26, $0xC  }
0x43: {  	s28 =	sor.u32 s16, s28  }
0x44: {  	s29 =	sshrl.u32 s28, $0x3  }
0x45: {  	s30 =	sadd.s32 s5, s29  }
0x46: {  	[tilespmem:s25], [sflag:$0x2] =	stream.linear.gather [hbm4b:s30+s25], $0x80, $0x38;
	[tilespmem:$0x1B980] =	vst v63  }
0x47: {  	_ =	swait.ge [sflag:s21], $0x80  }
0x48: {  	[sflag:s21] =	ssyncset.done $0x0  }
0x49: {  	s29 =	sadd.s32 s6, s29;
	[sflag:s21] =	ssyncadd.s32 $0xFFFFFF80  }
0x4a: {  	[tilespmem:s22], [sflag:$0x2] =	stream.linear.gather [hbm4b:s29+s25], $0x80, $0x38;
	[tilespmem:$0x1B980] =	vst v63  }
0x4b: {  	_ =	swait.ge [sflag:s21], $0x80  }
0x4c: {  	[sflag:s21] =	ssyncset.done $0x0  }
0x4d: {  	s28 =	sshll.u32 s28, $0x4;
	[sflag:s21] =	ssyncadd.s32 $0xFFFFFF80  }
0x4e: {  	[tilespmem:s23], [sflag:$0x1] =	stream.indirect.gather [hbm4b:s1+s22], $0x80, s25, s22, $0xb8;
	[tilespmem:$0x1B980] =	vst v63  }
0x4f: {  	s28 =	sadd.s32 s7, s28  }
0x50: {  	[tilespmem:s20], [sflag:$0x2] =	stream.linear.gather [hbm4b:s28+s25], $0x4000, $0x38;
	[tilespmem:$0x1B980] =	vst v63  }
0x51: {  	_ =	swait.ge [sflag:s21], $0x4000  }
0x52: {  	[sflag:s21] =	ssyncset.done $0x0  }
0x53: {  	[sflag:s21] =	ssyncadd.s32 $0xFFFFC000  }
0x54: {  	_ =	swait.ge [sflag:s24], $0x4000  }
0x55: {  	[sflag:s24] =	ssyncset.done $0x0  }
0x56: {  	s28 =	simm.s32 $0x0;
	[sflag:s24] =	ssyncadd.s32 $0xFFFFC000  }
0x57: {  	v7 =	vld [tilespmem:s28+$0x4100]  }
0x58: {  	v10 =	vld [tilespmem:s28+$0x4110]  }
0x59: {  	v6 =	vld [tilespmem:s28+$0x4120]  }
0x5a: {  	v5 =	vld [tilespmem:s28+$0x4130]  }
0x5b: {  	v4 =	vld [tilespmem:s28+$0x4140]  }
0x5c: {  	v3 =	vld [tilespmem:s28+$0x4150]  }
0x5d: {  	v2 =	vld [tilespmem:s28+$0x4160]  }
0x5e: {  	v1 =	vld [tilespmem:s28+$0x4170]  }
0x5f: {  	v12 =	vld [tilespmem:s28+$0x100]  }
0x60: {  	v14 =	vld [tilespmem:s28+$0x110]  }
0x61: {  	v13 =	vld [tilespmem:s28+$0x120]  }
0x62: {  	v11 =	vld [tilespmem:s28+$0x130]  }
0x63: {  	v9 =	vld [tilespmem:s28+$0x140]  }
0x64: {  	v8 =	vld [tilespmem:s28+$0x150];
	v12 =	vadd.f32 v7, v12  }
0x65: {  	s29 =	simm.s32 $0x200;
	v10 =	vadd.f32 v10, v14;
	v7 =	vld [tilespmem:s28+$0x160]  }
.LBB2_5:
0x66: {  	s30 =	sshra.s32 s29, $0x2;
	p1 =	sne.s32 s29, $0xFE00;
	v14 =	vmul.f32 $9.999999770e-03, v12;
	v13 =	vadd.f32 v6, v13;
	v15 =	vld [tilespmem:s28+$0x170]  }
0x67: {  	v16 =	vld [tilespmem:s30+$0x4100];
	v17 =	vmul.f32 $9.999999770e-03, v10;
	v11 =	vadd.f32 v5, v11  }
0x68: {  	v18 =	vld [tilespmem:s30+$0x4110];
	v5 =	vmax.f32 v12, v14;
	v12 =	vmul.f32 $9.999999770e-03, v13;
	v9 =	vadd.f32 v4, v9  }
0x69: {  	v6 =	vld [tilespmem:s30+$0x4120];
	[tilespmem:s28+$0x100] =	vst v5;
	v4 =	vmax.f32 v10, v17;
	v10 =	vmul.f32 $9.999999770e-03, v11;
	v8 =	vadd.f32 v3, v8  }
0x6a: {  	v5 =	vld [tilespmem:s30+$0x4130];
	[tilespmem:s28+$0x110] =	vst v4;
	v3 =	vmax.f32 v13, v12;
	v12 =	vmul.f32 $9.999999770e-03, v9;
	v7 =	vadd.f32 v2, v7  }
0x6b: {  	v4 =	vld [tilespmem:s30+$0x4140];
	[tilespmem:s28+$0x120] =	vst v3;
	v2 =	vmax.f32 v11, v10;
	v10 =	vmul.f32 $9.999999770e-03, v8;
	v11 =	vadd.f32 v1, v15  }
0x6c: {  	v3 =	vld [tilespmem:s30+$0x4150];
	[tilespmem:s28+$0x130] =	vst v2;
	v1 =	vmax.f32 v9, v12;
	v9 =	vmul.f32 $9.999999770e-03, v7  }
0x6d: {  	v2 =	vld [tilespmem:s30+$0x4160];
	[tilespmem:s28+$0x140] =	vst v1;
	v8 =	vmax.f32 v8, v10;
	v10 =	vmul.f32 $9.999999770e-03, v11  }
0x6e: {  	v1 =	vld [tilespmem:s30+$0x4170];
	[tilespmem:s28+$0x150] =	vst v8;
	v7 =	vmax.f32 v7, v9  }
0x6f: {  	v8 =	vld [tilespmem:s30+$0x100];
	[tilespmem:s28+$0x160] =	vst v7;
	v7 =	vmax.f32 v11, v10  }
0x70: {  	v10 =	vld [tilespmem:s30+$0x110];
	[tilespmem:s28+$0x170] =	vst v7;
	s28 =	smov.u32 s30  }
.Ltmp1:
0x71: {  	v13 =	vld [tilespmem:s28+$0x120];
	(pc) =	sbr.rel @p1 .LBB2_5-.Ltmp1, $4  }
0x72: {  	v11 =	vld [tilespmem:s28+$0x130]  }
0x73: {  	v9 =	vld [tilespmem:s28+$0x140]  }
0x74: {  	v12 =	vadd.f32 v16, v8;
	v8 =	vld [tilespmem:s28+$0x150]  }
0x75: {  	s29 =	sadd.s32 $0x200, s29;
	v10 =	vadd.f32 v18, v10;
	v7 =	vld [tilespmem:s28+$0x160]  }
0x76: {  	v14 =	vmul.f32 $9.999999770e-03, v12;
	v6 =	vadd.f32 v6, v13;
	v55 =	vld [tilespmem:s28+$0x170]  }
0x77: {  	v15 =	vmul.f32 $9.999999770e-03, v10;
	v5 =	vadd.f32 v5, v11  }
0x78: {  	v56 =	vmax.f32 v12, v14;
	v57 =	vmul.f32 $9.999999770e-03, v6;
	v4 =	vadd.f32 v4, v9  }
0x79: {  	[tilespmem:s28+$0x100] =	vst v56;
	v58 =	vmax.f32 v10, v15;
	v59 =	vmul.f32 $9.999999770e-03, v5;
	v3 =	vadd.f32 v3, v8  }
0x7a: {  	[tilespmem:s28+$0x110] =	vst v58;
	v6 =	vmax.f32 v6, v57;
	v60 =	vmul.f32 $9.999999770e-03, v4;
	v2 =	vadd.f32 v2, v7  }
0x7b: {  	[tilespmem:s28+$0x120] =	vst v6;
	v5 =	vmax.f32 v5, v59;
	v61 =	vmul.f32 $9.999999770e-03, v3;
	v1 =	vadd.f32 v1, v55  }
0x7c: {  	[tilespmem:s28+$0x130] =	vst v5;
	v4 =	vmax.f32 v4, v60;
	v62 =	vmul.f32 $9.999999770e-03, v2  }
0x7d: {  	[tilespmem:s28+$0x140] =	vst v4;
	v3 =	vmax.f32 v3, v61;
	v63 =	vmul.f32 $9.999999770e-03, v1  }
0x7e: {  	s26 =	sadd.s32 $0x1, s26;
	[tilespmem:s28+$0x150] =	vst v3;
	v2 =	vmax.f32 v2, v62  }
0x7f: {  	p1 =	sne.s32 s26, s14;
	[tilespmem:s28+$0x160] =	vst v2;
	v1 =	vmax.f32 v1, v63  }
.Ltmp2:
0x80: {  	[tilespmem:s28+$0x170] =	vst v1;
	(pc) =	sbr.rel @p1 .LBB2_4-.Ltmp2, $4  }
0x81: {  	[spmem:s2] =	stream.indirect.scatter.add.f32 [tilespmem:s23], [sflag:$0x2], $0x80, s22, s22, $0xb8;
	[tilespmem:$0x1B980] =	vst v63  }
0x82: {  	_ =	swait.ge [sflag:s21], $0x4000  }
0x83: {  	[sflag:s21] =	ssyncset.done $0x0  }
0x84: {  	[sflag:s21] =	ssyncadd.s32 $0xFFFFC000  }
0x85: {  	s25 =	sshll.u32 s3, $0x6  }
0x86: {  	[bflag:$0x0] =	sbarrier.arrive $0xFFFF;
	s26 =	sshrl.u32 s8, $0x3;
	s25 =	sor.u32 $0x1C02, s25  }
0x87: {  	[hbm:s17], [sflag:s25] =	dma.local [spmem:s26], $0x2700  }
0x88: {  	_ =	swait.ge [sflag:s21], $0x2700  }
0x89: {  	s4 =	sadd.s32 $0x1, s4;
	[sflag:s21] =	ssyncset.done $0x0  }
0x8a: {  	p1 =	sne.s32 s4, s19;
	s26 =	sshrl.u32 @!p0 s15, $0x3;
	[sflag:s21] =	ssyncadd.s32 $0xFFFFD900  }
0x8b: {  	[hbm:s18], [sflag:s25] =	dma.local @!p0 [spmem:s26], $0x100  }
.Ltmp3:
0x8c: {  	_ = 	snop;
	(pc) =	sbr.rel @p1 .LBB2_1-.Ltmp3, $4  }
0x8d: {  	s25 =	simm.s32 @!p0 $0x2  }
0x8e: {  	_ =	swait.ge @!p0 [sflag:s25], $0x100  }
0x8f: {  	[sflag:s25] =	ssyncset.done @!p0 $0x0  }
0x90: {  	[sflag:s25] =	ssyncadd.s32 @!p0 $0xFFFFFF00  }
0x91: {  	_ =	sfence.sel $0x180000  }
0x92: {  	[bflag:$0x0] =	sbarrier.arrive $0xFFFF  }
0x93: {  	p0 =	sne.s32 s3, $0x0;
	_ =	strace $0x90000047  }
0x94: {  	s0 =	sadd.s32 @!p0 $0x100000, s0;
	[bflag:$0x2] =	sbarrier.arrive $0xFFFF  }
0x95: {  	[sflag:s0] =	ssyncadd.tile.s32 @!p0 $0x1;
	_ =	shalt  }
.Lfunc_end2:
_tile_overlayer_lowered:
.L_overlay_start_2:
0x96: {  	(tag) =	ssettag $0x2  }
0x97: {  	s0 =	rddreg [dreg:$0x0];
	s2 =	stileid.u32  }
0x98: {  	s1 =	rddreg [dreg:$0x1];
	p0 =	sne.s32 s2, $0x0  }
0x99: {  	s3 =	rddreg [dreg:$0x2];
	[bflag:$0x3] =	sbarrier.arrive $0xFFFF;
	s2 =	simm.s32 @!p0 $0x1C02  }
0x9a: {  	[timem:s3], [sflag:s2] =	dma.local @!p0 [hbm:s0], s1  }
0x9b: {  	s0 =	simm.s32 @!p0 $0x2  }
0x9c: {  	_ =	swait.ge @!p0 [sflag:s0], s1  }
0x9d: {  	s1 =	ssub.s32 @!p0 $0x0, s1;
	[sflag:s0] =	ssyncset.done @!p0 $0x0  }
0x9e: {  	[sflag:s0] =	ssyncadd.s32 @!p0 s1  }
0x9f: {  	[bflag:$0x3] =	sbarrier.arrive $0xFFFF  }
0xa0: {  	_ =	shalt  }

</sc_bundles>
